<compile_context>
chip_gen: v7x
topology: tpu7x:2x2x1
jax: 0.10.2.dev20260603
libtpu: 0.0.44.dev20260713+nightly
codegen_flags: <defaults>
</compile_context>

<pallas_src>
import functools

import jax
import jax.numpy as jnp
from jax import lax
from jax.experimental import pallas as pl
from jax.experimental.pallas import tpu as pltpu
from jax.experimental.pallas import tpu_sc as plsc

_E = 320000
_D = 128
_S = 10000
_NC = 2
_NS = 16
_NW = _NC * _NS
_RPW = _E // _NW
_C = 80
_NCHUNK = _RPW // _C
_SPW = 624
_STAIL = _S - _NS * _SPW

_MESH = plsc.VectorSubcoreMesh(core_axis_name="c", subcore_axis_name="s")


def _sumexp_body(x_hbm, idx_hbm, z_hbm, part_hbm, stats_sh, xv, iv):
    c = lax.axis_index("c")
    s = lax.axis_index("s")
    base = (c * _NS + s) * _RPW
    srow = s * _SPW
    pltpu.sync_copy(z_hbm.at[pl.ds(srow, _SPW)], stats_sh.at[pl.ds(srow, _SPW)])

    @pl.when(s == _NS - 1)
    def _():
        pltpu.sync_copy(z_hbm.at[pl.ds(_NS * _SPW, _STAIL)],
                        stats_sh.at[pl.ds(_NS * _SPW, _STAIL)])

    plsc.subcore_barrier()

    def chunk(i, carry):
        r0 = base + i * _C
        pltpu.sync_copy(x_hbm.at[pl.ds(r0, _C)], xv)
        pltpu.sync_copy(idx_hbm.at[pl.ds(r0, _C)], iv)

        def erow(r, cc):
            for j in range(_D // 16):
                sl = pl.ds(j * 16, 16)
                xv[r, sl] = jnp.exp(xv[r, sl])
            return cc

        lax.fori_loop(0, _C, erow, 0)
        pltpu.sync_copy(xv, stats_sh.at[iv], add=True)
        return carry

    lax.fori_loop(0, _NCHUNK, chunk, 0)
    plsc.subcore_barrier()
    pltpu.sync_copy(stats_sh.at[pl.ds(srow, _SPW)],
                    part_hbm.at[c, pl.ds(srow, _SPW)])

    @pl.when(s == _NS - 1)
    def _():
        pltpu.sync_copy(stats_sh.at[pl.ds(_NS * _SPW, _STAIL)],
                        part_hbm.at[c, pl.ds(_NS * _SPW, _STAIL)])


_sumexp = pl.kernel(
    _sumexp_body,
    mesh=_MESH,
    out_type=jax.ShapeDtypeStruct((_NC, _S, _D), jnp.float32),
    scratch_types=[
        pltpu.VMEM_SHARED((_S, _D), jnp.float32),
        pltpu.VMEM((_C, _D), jnp.float32),
        pltpu.VMEM((_C,), jnp.int32),
    ],
)


def _combine_body(p_ref, o_ref):
    o_ref[...] = 1.0 / (p_ref[0] + p_ref[1])


_combine = pl.pallas_call(
    _combine_body,
    out_shape=jax.ShapeDtypeStruct((_S, _D), jnp.float32),
)


def _normalize_body(x_hbm, idx_hbm, g_hbm, out_hbm, xv, iv, gv, sem):
    c = lax.axis_index("c")
    s = lax.axis_index("s")
    base = (c * _NS + s) * _RPW

    def chunk(i, carry):
        r0 = base + i * _C
        pltpu.sync_copy(x_hbm.at[pl.ds(r0, _C)], xv)
        pltpu.sync_copy(idx_hbm.at[pl.ds(r0, _C)], iv)
        pltpu.async_copy(g_hbm.at[iv], gv, sem).wait()

        def nrow(r, cc):
            for j in range(_D // 16):
                sl = pl.ds(j * 16, 16)
                xv[r, sl] = jnp.exp(xv[r, sl]) * gv[r, sl]
            return cc

        lax.fori_loop(0, _C, nrow, 0)
        pltpu.sync_copy(xv, out_hbm.at[pl.ds(r0, _C)])
        return carry

    lax.fori_loop(0, _NCHUNK, chunk, 0)


_normalize = pl.kernel(
    _normalize_body,
    mesh=_MESH,
    out_type=jax.ShapeDtypeStruct((_E, _D), jnp.float32),
    scratch_types=[
        pltpu.VMEM((_C, _D), jnp.float32),
        pltpu.VMEM((_C,), jnp.int32),
        pltpu.VMEM((_C, _D), jnp.float32),
        pltpu.SemaphoreType.DMA,
    ],
)


def kernel(inputs, selected_edges):
    idx = selected_edges[:, 4].astype(jnp.int32)
    zeros = jnp.zeros((_S, _D), jnp.float32)
    part = _sumexp(inputs, idx, zeros)
    recip = _combine(part)
    return _normalize(inputs, idx, recip)

# --- scband reference (transcript-rebuilt; emitter-appended) ---
"""Pipeline reference for scband-neighbor-softmax-29042568855560 (READ-ONLY COPY).

The authoritative reference and input builder live on the scoring server;
editing this copy changes nothing except your own understanding.
"""

import jax, jax.numpy as jnp
import numpy as np

NUM_SEGMENTS = 10000
E = 320000
D = 128

def setup_inputs(seed: int = 0) -> dict:
    key = jax.random.key(seed)
    k1, k2 = jax.random.split(key)
    inputs = jax.random.normal(k1, (E, D), dtype=jnp.float32)
    # sorted_randint over the full [E, 8] tensor: after flatten-sort-reshape,
    # column 4 (idx_vi) is non-decreasing across rows, as the TF module requires
    # (selected_edges sorted by idx / vi).
    selected_edges = jnp.sort(jax.random.randint(k2, (E * 8,), 0, NUM_SEGMENTS)).reshape(E, 8).astype(jnp.int64)
    return {"inputs": inputs, "selected_edges": selected_edges}

def reference(inputs, selected_edges):
    # NeighborSoftmax.call with at='vi' (sorted segment softmax over idx_vi)
    edge_vec = inputs
    idx_vi = selected_edges[:, 4]
    logits_max = jax.ops.segment_max(edge_vec, idx_vi, num_segments=NUM_SEGMENTS, indices_are_sorted=True)
    logits_max_g = jnp.take(logits_max, idx_vi, axis=0)
    logits_exp = jnp.exp(edge_vec - logits_max_g)
    logits_expsum = jax.ops.segment_sum(logits_exp, idx_vi, num_segments=NUM_SEGMENTS, indices_are_sorted=True)
    logits_expsum_g = jnp.take(logits_expsum, idx_vi, axis=0)
    logits_norm = logits_exp / logits_expsum_g
    return logits_norm

if __name__ == "__main__":
    import jax
    _d = setup_inputs()
    print(jax.jit(kernel)(*tuple(_d.values())))

</pallas_src>

<mosaic_0001>
#map = affine_map<(d0, d1) -> (0, 0)>
#map1 = affine_map<(d0, d1) -> (0)>
#map2 = affine_map<(d0, d1) -> (0, 0, 0)>
module attributes {stable_mosaic.version = 14 : i64} {
  func.func @_sumexp_body(%arg0: i32, %arg1: i32, %arg2: memref<320000x128xf32, #tpu.memory_space<hbm>>, %arg3: memref<320000xi32, #tpu.memory_space<hbm>>, %arg4: memref<10000x128xf32, #tpu.memory_space<hbm>>, %arg5: memref<2x10000x128xf32, #tpu.memory_space<hbm>>, %arg6: memref<10000x128xf32, #tpu.memory_space<vmem_shared>>, %arg7: memref<80x128xf32, #tpu.memory_space<vmem>>, %arg8: memref<80xi32, #tpu.memory_space<vmem>>) attributes {dimension_semantics = [#tpu.dimension_semantics<core_parallel>, #tpu.dimension_semantics<subcore_parallel>], iteration_bounds = array<i64: 2, 16>, scalar_prefetch = 0 : i64, scratch_operands = 3 : i64, tpu.core_type = #tpu.core_type<sc_vector_subcore>, window_params = [{transform_indices = #map}, {transform_indices = #map1}, {transform_indices = #map}, {transform_indices = #map2}]} {
    %mul3A = arith.constant 16 : i32
    %mul3A_0 = arith.muli %arg0, %mul3A : i32
    %add3A = arith.addi %mul3A_0, %arg1 : i32
    %mul3A_1 = arith.constant 10000 : i32
    %mul3A_2 = arith.muli %add3A, %mul3A_1 : i32
    %mul3A_3 = arith.constant 624 : i32
    %mul3A_4 = arith.muli %arg1, %mul3A_3 : i32
    "tpu.region"() ({
      %run_scoped3A = tpu.sem_alloc : memref<!tpu.dma_semaphore, #tpu.memory_space<semaphore_mem>>
      %dma_start3A = arith.constant 0 : i32
      %dma_start3A_18 = tpu.memref_slice %arg6[%mul3A_4, %dma_start3A] : memref<10000x128xf32, #tpu.memory_space<vmem_shared>> -> memref<624x128xf32, #tpu.memory_space<vmem_shared>>
      %dma_start3A_19 = arith.constant 0 : i32
      %dma_start3A_20 = tpu.memref_slice %arg4[%mul3A_4, %dma_start3A_19] : memref<10000x128xf32, #tpu.memory_space<hbm>> -> memref<624x128xf32, #tpu.memory_space<hbm>>
      tpu.enqueue_dma source(%dma_start3A_20 : memref<624x128xf32, #tpu.memory_space<hbm>>) target(%dma_start3A_18 : memref<624x128xf32, #tpu.memory_space<vmem_shared>>) target_semaphore(%run_scoped3A : memref<!tpu.dma_semaphore, #tpu.memory_space<semaphore_mem>>)
      %dma_wait3A = arith.constant 0 : i32
      %dma_wait3A_21 = tpu.memref_slice %arg6[%mul3A_4, %dma_wait3A] : memref<10000x128xf32, #tpu.memory_space<vmem_shared>> -> memref<624x128xf32, #tpu.memory_space<vmem_shared>>
      %dma_wait3A_22 = arith.constant 0 : i32
      %dma_wait3A_23 = tpu.memref_slice %arg4[%mul3A_4, %dma_wait3A_22] : memref<10000x128xf32, #tpu.memory_space<hbm>> -> memref<624x128xf32, #tpu.memory_space<hbm>>
      tpu.wait_dma2 semaphore(%run_scoped3A : memref<!tpu.dma_semaphore, #tpu.memory_space<semaphore_mem>>) src(%dma_wait3A_23 : memref<624x128xf32, #tpu.memory_space<hbm>>) dst(%dma_wait3A_21 : memref<624x128xf32, #tpu.memory_space<vmem_shared>>)
      tpu.yield
    }) : () -> ()
    %eq3A = arith.constant 15 : i32
    %eq3A_5 = arith.cmpi eq, %arg1, %eq3A : i32
    %convert_element_type3A = arith.extui %eq3A_5 : i1 to i32
    %cond3A = arith.constant 0 : i32
    %cond3A_6 = arith.cmpi ne, %convert_element_type3A, %cond3A : i32
    scf.if %cond3A_6 {
      "tpu.region"() ({
        %run_scoped3A = tpu.sem_alloc : memref<!tpu.dma_semaphore, #tpu.memory_space<semaphore_mem>>
        %dma_start3A = arith.constant 9984 : i32
        %dma_start3A_18 = arith.constant 0 : i32
        %dma_start3A_19 = tpu.memref_slice %arg6[%dma_start3A, %dma_start3A_18] : memref<10000x128xf32, #tpu.memory_space<vmem_shared>> -> memref<16x128xf32, #tpu.memory_space<vmem_shared>>
        %dma_start3A_20 = arith.constant 9984 : i32
        %dma_start3A_21 = arith.constant 0 : i32
        %dma_start3A_22 = tpu.memref_slice %arg4[%dma_start3A_20, %dma_start3A_21] : memref<10000x128xf32, #tpu.memory_space<hbm>> -> memref<16x128xf32, #tpu.memory_space<hbm>>
        tpu.enqueue_dma source(%dma_start3A_22 : memref<16x128xf32, #tpu.memory_space<hbm>>) target(%dma_start3A_19 : memref<16x128xf32, #tpu.memory_space<vmem_shared>>) target_semaphore(%run_scoped3A : memref<!tpu.dma_semaphore, #tpu.memory_space<semaphore_mem>>)
        %dma_wait3A = arith.constant 9984 : i32
        %dma_wait3A_23 = arith.constant 0 : i32
        %dma_wait3A_24 = tpu.memref_slice %arg6[%dma_wait3A, %dma_wait3A_23] : memref<10000x128xf32, #tpu.memory_space<vmem_shared>> -> memref<16x128xf32, #tpu.memory_space<vmem_shared>>
        %dma_wait3A_25 = arith.constant 9984 : i32
        %dma_wait3A_26 = arith.constant 0 : i32
        %dma_wait3A_27 = tpu.memref_slice %arg4[%dma_wait3A_25, %dma_wait3A_26] : memref<10000x128xf32, #tpu.memory_space<hbm>> -> memref<16x128xf32, #tpu.memory_space<hbm>>
        tpu.wait_dma2 semaphore(%run_scoped3A : memref<!tpu.dma_semaphore, #tpu.memory_space<semaphore_mem>>) src(%dma_wait3A_27 : memref<16x128xf32, #tpu.memory_space<hbm>>) dst(%dma_wait3A_24 : memref<16x128xf32, #tpu.memory_space<vmem_shared>>)
        tpu.yield
      }) : () -> ()
    } else {
    }
    %barrier3A = arith.constant 0 : index
    tpu.barrier barrier_id(%barrier3A)
    %scan3A = arith.constant 0 : i32
    %scan3A_7 = arith.constant 0 : i32
    %scan3A_8 = arith.constant 125 : i32
    %scan3A_9 = arith.addi %scan3A_7, %scan3A_8 : i32
    %scan3A_10 = arith.constant 1 : i32
    scf.for %scan3A_18 = %scan3A_7 to %scan3A_9 step %scan3A_10  : i32 {
      %mul3A_19 = arith.constant 80 : i32
      %mul3A_20 = arith.muli %scan3A_18, %mul3A_19 : i32
      %add3A_21 = arith.addi %mul3A_2, %mul3A_20 : i32
      "tpu.region"() ({
        %run_scoped3A = tpu.sem_alloc : memref<!tpu.dma_semaphore, #tpu.memory_space<semaphore_mem>>
        %dma_start3A = arith.constant 0 : i32
        %dma_start3A_28 = tpu.memref_slice %arg2[%add3A_21, %dma_start3A] : memref<320000x128xf32, #tpu.memory_space<hbm>> -> memref<80x128xf32, #tpu.memory_space<hbm>>
        %dma_start3A_29 = arith.constant 0 : i32
        %dma_start3A_30 = tpu.memref_slice %arg2[%add3A_21, %dma_start3A_29] : memref<320000x128xf32, #tpu.memory_space<hbm>> -> memref<80x128xf32, #tpu.memory_space<hbm>>
        tpu.enqueue_dma source(%dma_start3A_30 : memref<80x128xf32, #tpu.memory_space<hbm>>) target(%arg7 : memref<80x128xf32, #tpu.memory_space<vmem>>) target_semaphore(%run_scoped3A : memref<!tpu.dma_semaphore, #tpu.memory_space<semaphore_mem>>)
        %dma_wait3A = arith.constant 0 : i32
        %dma_wait3A_31 = tpu.memref_slice %arg2[%add3A_21, %dma_wait3A] : memref<320000x128xf32, #tpu.memory_space<hbm>> -> memref<80x128xf32, #tpu.memory_space<hbm>>
        %dma_wait3A_32 = arith.constant 0 : i32
        %dma_wait3A_33 = tpu.memref_slice %arg2[%add3A_21, %dma_wait3A_32] : memref<320000x128xf32, #tpu.memory_space<hbm>> -> memref<80x128xf32, #tpu.memory_space<hbm>>
        tpu.wait_dma2 semaphore(%run_scoped3A : memref<!tpu.dma_semaphore, #tpu.memory_space<semaphore_mem>>) src(%dma_wait3A_33 : memref<80x128xf32, #tpu.memory_space<hbm>>) dst(%arg7 : memref<80x128xf32, #tpu.memory_space<vmem>>)
        tpu.yield
      }) : () -> ()
      "tpu.region"() ({
        %run_scoped3A = tpu.sem_alloc : memref<!tpu.dma_semaphore, #tpu.memory_space<semaphore_mem>>
        %dma_start3A = tpu.memref_slice %arg3[%add3A_21] : memref<320000xi32, #tpu.memory_space<hbm>> -> memref<80xi32, #tpu.memory_space<hbm>>
        %dma_start3A_28 = tpu.memref_slice %arg3[%add3A_21] : memref<320000xi32, #tpu.memory_space<hbm>> -> memref<80xi32, #tpu.memory_space<hbm>>
        tpu.enqueue_dma source(%dma_start3A_28 : memref<80xi32, #tpu.memory_space<hbm>>) target(%arg8 : memref<80xi32, #tpu.memory_space<vmem>>) target_semaphore(%run_scoped3A : memref<!tpu.dma_semaphore, #tpu.memory_space<semaphore_mem>>)
        %dma_wait3A = tpu.memref_slice %arg3[%add3A_21] : memref<320000xi32, #tpu.memory_space<hbm>> -> memref<80xi32, #tpu.memory_space<hbm>>
        %dma_wait3A_29 = tpu.memref_slice %arg3[%add3A_21] : memref<320000xi32, #tpu.memory_space<hbm>> -> memref<80xi32, #tpu.memory_space<hbm>>
        tpu.wait_dma2 semaphore(%run_scoped3A : memref<!tpu.dma_semaphore, #tpu.memory_space<semaphore_mem>>) src(%dma_wait3A_29 : memref<80xi32, #tpu.memory_space<hbm>>) dst(%arg8 : memref<80xi32, #tpu.memory_space<vmem>>)
        tpu.yield
      }) : () -> ()
      %scan3A_22 = arith.constant 0 : i32
      %scan3A_23 = arith.constant 0 : i32
      %scan3A_24 = arith.constant 80 : i32
      %scan3A_25 = arith.addi %scan3A_23, %scan3A_24 : i32
      %scan3A_26 = arith.constant 1 : i32
      scf.for %scan3A_28 = %scan3A_23 to %scan3A_25 step %scan3A_26  : i32 {
        %get3A = arith.index_cast %scan3A_28 : i32 to index
        %get3A_29 = arith.constant 0 : index
        %get3A_30 = tpu.vector_load %arg7[%get3A, %get3A_29] {strides = array<i32>} : memref<80x128xf32, #tpu.memory_space<vmem>>, vector<1x16xf32>,
        %get3A_31 = vector.shape_cast %get3A_30 : vector<1x16xf32> to vector<16xf32>
        %exp3A = math.exp %get3A_31 : vector<16xf32>
        %swap3A = arith.index_cast %scan3A_28 : i32 to index
        %swap3A_32 = arith.constant 0 : index
        %swap3A_33 = tpu.vector_load %arg7[%swap3A, %swap3A_32] {strides = array<i32>} : memref<80x128xf32, #tpu.memory_space<vmem>>, vector<1x16xf32>,
        %swap3A_34 = vector.shape_cast %swap3A_33 : vector<1x16xf32> to vector<16xf32>
        %swap3A_35 = vector.shape_cast %exp3A : vector<16xf32> to vector<1x16xf32>
        tpu.vector_store %arg7[%swap3A, %swap3A_32], %swap3A_35 {strides = array<i32>} : memref<80x128xf32, #tpu.memory_space<vmem>>, vector<1x16xf32>,
        %get3A_36 = arith.index_cast %scan3A_28 : i32 to index
        %get3A_37 = arith.constant 16 : index
        %get3A_38 = tpu.vector_load %arg7[%get3A_36, %get3A_37] {strides = array<i32>} : memref<80x128xf32, #tpu.memory_space<vmem>>, vector<1x16xf32>,
        %get3A_39 = vector.shape_cast %get3A_38 : vector<1x16xf32> to vector<16xf32>
        %exp3A_40 = math.exp %get3A_39 : vector<16xf32>
        %swap3A_41 = arith.index_cast %scan3A_28 : i32 to index
        %swap3A_42 = arith.constant 16 : index
        %swap3A_43 = tpu.vector_load %arg7[%swap3A_41, %swap3A_42] {strides = array<i32>} : memref<80x128xf32, #tpu.memory_space<vmem>>, vector<1x16xf32>,
        %swap3A_44 = vector.shape_cast %swap3A_43 : vector<1x16xf32> to vector<16xf32>
        %swap3A_45 = vector.shape_cast %exp3A_40 : vector<16xf32> to vector<1x16xf32>
        tpu.vector_store %arg7[%swap3A_41, %swap3A_42], %swap3A_45 {strides = array<i32>} : memref<80x128xf32, #tpu.memory_space<vmem>>, vector<1x16xf32>,
        %get3A_46 = arith.index_cast %scan3A_28 : i32 to index
        %get3A_47 = arith.constant 32 : index
        %get3A_48 = tpu.vector_load %arg7[%get3A_46, %get3A_47] {strides = array<i32>} : memref<80x128xf32, #tpu.memory_space<vmem>>, vector<1x16xf32>,
        %get3A_49 = vector.shape_cast %get3A_48 : vector<1x16xf32> to vector<16xf32>
        %exp3A_50 = math.exp %get3A_49 : vector<16xf32>
        %swap3A_51 = arith.index_cast %scan3A_28 : i32 to index
        %swap3A_52 = arith.constant 32 : index
        %swap3A_53 = tpu.vector_load %arg7[%swap3A_51, %swap3A_52] {strides = array<i32>} : memref<80x128xf32, #tpu.memory_space<vmem>>, vector<1x16xf32>,
        %swap3A_54 = vector.shape_cast %swap3A_53 : vector<1x16xf32> to vector<16xf32>
        %swap3A_55 = vector.shape_cast %exp3A_50 : vector<16xf32> to vector<1x16xf32>
        tpu.vector_store %arg7[%swap3A_51, %swap3A_52], %swap3A_55 {strides = array<i32>} : memref<80x128xf32, #tpu.memory_space<vmem>>, vector<1x16xf32>,
        %get3A_56 = arith.index_cast %scan3A_28 : i32 to index
        %get3A_57 = arith.constant 48 : index
        %get3A_58 = tpu.vector_load %arg7[%get3A_56, %get3A_57] {strides = array<i32>} : memref<80x128xf32, #tpu.memory_space<vmem>>, vector<1x16xf32>,
        %get3A_59 = vector.shape_cast %get3A_58 : vector<1x16xf32> to vector<16xf32>
        %exp3A_60 = math.exp %get3A_59 : vector<16xf32>
        %swap3A_61 = arith.index_cast %scan3A_28 : i32 to index
        %swap3A_62 = arith.constant 48 : index
        %swap3A_63 = tpu.vector_load %arg7[%swap3A_61, %swap3A_62] {strides = array<i32>} : memref<80x128xf32, #tpu.memory_space<vmem>>, vector<1x16xf32>,
        %swap3A_64 = vector.shape_cast %swap3A_63 : vector<1x16xf32> to vector<16xf32>
        %swap3A_65 = vector.shape_cast %exp3A_60 : vector<16xf32> to vector<1x16xf32>
        tpu.vector_store %arg7[%swap3A_61, %swap3A_62], %swap3A_65 {strides = array<i32>} : memref<80x128xf32, #tpu.memory_space<vmem>>, vector<1x16xf32>,
        %get3A_66 = arith.index_cast %scan3A_28 : i32 to index
        %get3A_67 = arith.constant 64 : index
        %get3A_68 = tpu.vector_load %arg7[%get3A_66, %get3A_67] {strides = array<i32>} : memref<80x128xf32, #tpu.memory_space<vmem>>, vector<1x16xf32>,
        %get3A_69 = vector.shape_cast %get3A_68 : vector<1x16xf32> to vector<16xf32>
        %exp3A_70 = math.exp %get3A_69 : vector<16xf32>
        %swap3A_71 = arith.index_cast %scan3A_28 : i32 to index
        %swap3A_72 = arith.constant 64 : index
        %swap3A_73 = tpu.vector_load %arg7[%swap3A_71, %swap3A_72] {strides = array<i32>} : memref<80x128xf32, #tpu.memory_space<vmem>>, vector<1x16xf32>,
        %swap3A_74 = vector.shape_cast %swap3A_73 : vector<1x16xf32> to vector<16xf32>
        %swap3A_75 = vector.shape_cast %exp3A_70 : vector<16xf32> to vector<1x16xf32>
        tpu.vector_store %arg7[%swap3A_71, %swap3A_72], %swap3A_75 {strides = array<i32>} : memref<80x128xf32, #tpu.memory_space<vmem>>, vector<1x16xf32>,
        %get3A_76 = arith.index_cast %scan3A_28 : i32 to index
        %get3A_77 = arith.constant 80 : index
        %get3A_78 = tpu.vector_load %arg7[%get3A_76, %get3A_77] {strides = array<i32>} : memref<80x128xf32, #tpu.memory_space<vmem>>, vector<1x16xf32>,
        %get3A_79 = vector.shape_cast %get3A_78 : vector<1x16xf32> to vector<16xf32>
        %exp3A_80 = math.exp %get3A_79 : vector<16xf32>
        %swap3A_81 = arith.index_cast %scan3A_28 : i32 to index
        %swap3A_82 = arith.constant 80 : index
        %swap3A_83 = tpu.vector_load %arg7[%swap3A_81, %swap3A_82] {strides = array<i32>} : memref<80x128xf32, #tpu.memory_space<vmem>>, vector<1x16xf32>,
        %swap3A_84 = vector.shape_cast %swap3A_83 : vector<1x16xf32> to vector<16xf32>
        %swap3A_85 = vector.shape_cast %exp3A_80 : vector<16xf32> to vector<1x16xf32>
        tpu.vector_store %arg7[%swap3A_81, %swap3A_82], %swap3A_85 {strides = array<i32>} : memref<80x128xf32, #tpu.memory_space<vmem>>, vector<1x16xf32>,
        %get3A_86 = arith.index_cast %scan3A_28 : i32 to index
        %get3A_87 = arith.constant 96 : index
        %get3A_88 = tpu.vector_load %arg7[%get3A_86, %get3A_87] {strides = array<i32>} : memref<80x128xf32, #tpu.memory_space<vmem>>, vector<1x16xf32>,
        %get3A_89 = vector.shape_cast %get3A_88 : vector<1x16xf32> to vector<16xf32>
        %exp3A_90 = math.exp %get3A_89 : vector<16xf32>
        %swap3A_91 = arith.index_cast %scan3A_28 : i32 to index
        %swap3A_92 = arith.constant 96 : index
        %swap3A_93 = tpu.vector_load %arg7[%swap3A_91, %swap3A_92] {strides = array<i32>} : memref<80x128xf32, #tpu.memory_space<vmem>>, vector<1x16xf32>,
        %swap3A_94 = vector.shape_cast %swap3A_93 : vector<1x16xf32> to vector<16xf32>
        %swap3A_95 = vector.shape_cast %exp3A_90 : vector<16xf32> to vector<1x16xf32>
        tpu.vector_store %arg7[%swap3A_91, %swap3A_92], %swap3A_95 {strides = array<i32>} : memref<80x128xf32, #tpu.memory_space<vmem>>, vector<1x16xf32>,
        %get3A_96 = arith.index_cast %scan3A_28 : i32 to index
        %get3A_97 = arith.constant 112 : index
        %get3A_98 = tpu.vector_load %arg7[%get3A_96, %get3A_97] {strides = array<i32>} : memref<80x128xf32, #tpu.memory_space<vmem>>, vector<1x16xf32>,
        %get3A_99 = vector.shape_cast %get3A_98 : vector<1x16xf32> to vector<16xf32>
        %exp3A_100 = math.exp %get3A_99 : vector<16xf32>
        %swap3A_101 = arith.index_cast %scan3A_28 : i32 to index
        %swap3A_102 = arith.constant 112 : index
        %swap3A_103 = tpu.vector_load %arg7[%swap3A_101, %swap3A_102] {strides = array<i32>} : memref<80x128xf32, #tpu.memory_space<vmem>>, vector<1x16xf32>,
        %swap3A_104 = vector.shape_cast %swap3A_103 : vector<1x16xf32> to vector<16xf32>
        %swap3A_105 = vector.shape_cast %exp3A_100 : vector<16xf32> to vector<1x16xf32>
        tpu.vector_store %arg7[%swap3A_101, %swap3A_102], %swap3A_105 {strides = array<i32>} : memref<80x128xf32, #tpu.memory_space<vmem>>, vector<1x16xf32>,
      }
      %scan3A_27 = arith.constant 80 : i32
      "tpu.region"() ({
        %run_scoped3A = tpu.sem_alloc : memref<!tpu.dma_semaphore, #tpu.memory_space<semaphore_mem>>
        %dma_start3A = arith.constant 0 : i32
        %dma_start3A_28 = arith.constant 0 : i32
        %dma_start3A_29 = tpu.memref_slice %arg6[%dma_start3A, %dma_start3A_28] : memref<10000x128xf32, #tpu.memory_space<vmem_shared>> -> memref<10000x128xf32, #tpu.memory_space<vmem_shared>>
        tpu.enqueue_indirect_dma source(%arg7 : memref<80x128xf32, #tpu.memory_space<vmem>>) target(%dma_start3A_29 : memref<10000x128xf32, #tpu.memory_space<vmem_shared>>) offsets(%arg8 : memref<80xi32, #tpu.memory_space<vmem>>) semaphore(%run_scoped3A : memref<!tpu.dma_semaphore, #tpu.memory_space<semaphore_mem>>) {add = true}
        %dma_wait3A = arith.constant 0 : i32
        %dma_wait3A_30 = arith.constant 0 : i32
        %dma_wait3A_31 = tpu.memref_slice %arg6[%dma_wait3A, %dma_wait3A_30] : memref<10000x128xf32, #tpu.memory_space<vmem_shared>> -> memref<10000x128xf32, #tpu.memory_space<vmem_shared>>
        tpu.wait_indirect_dma semaphore(%run_scoped3A : memref<!tpu.dma_semaphore, #tpu.memory_space<semaphore_mem>>) src(%arg7 : memref<80x128xf32, #tpu.memory_space<vmem>>) dst(%dma_wait3A_31 : memref<10000x128xf32, #tpu.memory_space<vmem_shared>>)
        tpu.yield
      }) : () -> ()
    }
    %scan3A_11 = arith.constant 125 : i32
    %barrier3A_12 = arith.constant 0 : index
    tpu.barrier barrier_id(%barrier3A_12)
    "tpu.region"() ({
      %run_scoped3A = tpu.sem_alloc : memref<!tpu.dma_semaphore, #tpu.memory_space<semaphore_mem>>
      %dma_start3A = arith.constant 0 : i32
      %dma_start3A_18 = tpu.memref_slice %arg5[%arg0, %mul3A_4, %dma_start3A] : memref<2x10000x128xf32, #tpu.memory_space<hbm>> -> memref<1x624x128xf32, #tpu.memory_space<hbm>>
      %dma_start3A_19 = tpu.memref_squeeze %dma_start3A_18 : memref<1x624x128xf32, #tpu.memory_space<hbm>> -> memref<624x128xf32, #tpu.memory_space<hbm>>
      %dma_start3A_20 = arith.constant 0 : i32
      %dma_start3A_21 = tpu.memref_slice %arg6[%mul3A_4, %dma_start3A_20] : memref<10000x128xf32, #tpu.memory_space<vmem_shared>> -> memref<624x128xf32, #tpu.memory_space<vmem_shared>>
      tpu.enqueue_dma source(%dma_start3A_21 : memref<624x128xf32, #tpu.memory_space<vmem_shared>>) target(%dma_start3A_19 : memref<624x128xf32, #tpu.memory_space<hbm>>) target_semaphore(%run_scoped3A : memref<!tpu.dma_semaphore, #tpu.memory_space<semaphore_mem>>)
      %dma_wait3A = arith.constant 0 : i32
      %dma_wait3A_22 = tpu.memref_slice %arg5[%arg0, %mul3A_4, %dma_wait3A] : memref<2x10000x128xf32, #tpu.memory_space<hbm>> -> memref<1x624x128xf32, #tpu.memory_space<hbm>>
      %dma_wait3A_23 = tpu.memref_squeeze %dma_wait3A_22 : memref<1x624x128xf32, #tpu.memory_space<hbm>> -> memref<624x128xf32, #tpu.memory_space<hbm>>
      %dma_wait3A_24 = arith.constant 0 : i32
      %dma_wait3A_25 = tpu.memref_slice %arg6[%mul3A_4, %dma_wait3A_24] : memref<10000x128xf32, #tpu.memory_space<vmem_shared>> -> memref<624x128xf32, #tpu.memory_space<vmem_shared>>
      tpu.wait_dma2 semaphore(%run_scoped3A : memref<!tpu.dma_semaphore, #tpu.memory_space<semaphore_mem>>) src(%dma_wait3A_25 : memref<624x128xf32, #tpu.memory_space<vmem_shared>>) dst(%dma_wait3A_23 : memref<624x128xf32, #tpu.memory_space<hbm>>)
      tpu.yield
    }) : () -> ()
    %eq3A_13 = arith.constant 15 : i32
    %eq3A_14 = arith.cmpi eq, %arg1, %eq3A_13 : i32
    %convert_element_type3A_15 = arith.extui %eq3A_14 : i1 to i32
    %cond3A_16 = arith.constant 0 : i32
    %cond3A_17 = arith.cmpi ne, %convert_element_type3A_15, %cond3A_16 : i32
    scf.if %cond3A_17 {
      "tpu.region"() ({
        %run_scoped3A = tpu.sem_alloc : memref<!tpu.dma_semaphore, #tpu.memory_space<semaphore_mem>>
        %dma_start3A = arith.constant 9984 : i32
        %dma_start3A_18 = arith.constant 0 : i32
        %dma_start3A_19 = tpu.memref_slice %arg5[%arg0, %dma_start3A, %dma_start3A_18] : memref<2x10000x128xf32, #tpu.memory_space<hbm>> -> memref<1x16x128xf32, #tpu.memory_space<hbm>>
        %dma_start3A_20 = tpu.memref_squeeze %dma_start3A_19 : memref<1x16x128xf32, #tpu.memory_space<hbm>> -> memref<16x128xf32, #tpu.memory_space<hbm>>
        %dma_start3A_21 = arith.constant 9984 : i32
        %dma_start3A_22 = arith.constant 0 : i32
        %dma_start3A_23 = tpu.memref_slice %arg6[%dma_start3A_21, %dma_start3A_22] : memref<10000x128xf32, #tpu.memory_space<vmem_shared>> -> memref<16x128xf32, #tpu.memory_space<vmem_shared>>
        tpu.enqueue_dma source(%dma_start3A_23 : memref<16x128xf32, #tpu.memory_space<vmem_shared>>) target(%dma_start3A_20 : memref<16x128xf32, #tpu.memory_space<hbm>>) target_semaphore(%run_scoped3A : memref<!tpu.dma_semaphore, #tpu.memory_space<semaphore_mem>>)
        %dma_wait3A = arith.constant 9984 : i32
        %dma_wait3A_24 = arith.constant 0 : i32
        %dma_wait3A_25 = tpu.memref_slice %arg5[%arg0, %dma_wait3A, %dma_wait3A_24] : memref<2x10000x128xf32, #tpu.memory_space<hbm>> -> memref<1x16x128xf32, #tpu.memory_space<hbm>>
        %dma_wait3A_26 = tpu.memref_squeeze %dma_wait3A_25 : memref<1x16x128xf32, #tpu.memory_space<hbm>> -> memref<16x128xf32, #tpu.memory_space<hbm>>
        %dma_wait3A_27 = arith.constant 9984 : i32
        %dma_wait3A_28 = arith.constant 0 : i32
        %dma_wait3A_29 = tpu.memref_slice %arg6[%dma_wait3A_27, %dma_wait3A_28] : memref<10000x128xf32, #tpu.memory_space<vmem_shared>> -> memref<16x128xf32, #tpu.memory_space<vmem_shared>>
        tpu.wait_dma2 semaphore(%run_scoped3A : memref<!tpu.dma_semaphore, #tpu.memory_space<semaphore_mem>>) src(%dma_wait3A_29 : memref<16x128xf32, #tpu.memory_space<vmem_shared>>) dst(%dma_wait3A_26 : memref<16x128xf32, #tpu.memory_space<hbm>>)
        tpu.yield
      }) : () -> ()
    } else {
    }
    return
  }
}

#map = affine_map<(d0, d1) -> (0, 0)>
#map1 = affine_map<(d0, d1) -> (0)>
module attributes {stable_mosaic.version = 14 : i64} {
  func.func @_normalize_body(%arg0: i32, %arg1: i32, %arg2: memref<320000x128xf32, #tpu.memory_space<hbm>>, %arg3: memref<320000xi32, #tpu.memory_space<hbm>>, %arg4: memref<10000x128xf32, #tpu.memory_space<hbm>>, %arg5: memref<320000x128xf32, #tpu.memory_space<hbm>>, %arg6: memref<80x128xf32, #tpu.memory_space<vmem>>, %arg7: memref<80xi32, #tpu.memory_space<vmem>>, %arg8: memref<80x128xf32, #tpu.memory_space<vmem>>, %arg9: memref<!tpu.dma_semaphore, #tpu.memory_space<semaphore_mem>>) attributes {dimension_semantics = [#tpu.dimension_semantics<core_parallel>, #tpu.dimension_semantics<subcore_parallel>], iteration_bounds = array<i64: 2, 16>, scalar_prefetch = 0 : i64, scratch_operands = 4 : i64, tpu.core_type = #tpu.core_type<sc_vector_subcore>, window_params = [{transform_indices = #map}, {transform_indices = #map1}, {transform_indices = #map}, {transform_indices = #map}]} {
    %mul3A = arith.constant 16 : i32
    %mul3A_0 = arith.muli %arg0, %mul3A : i32
    %add3A = arith.addi %mul3A_0, %arg1 : i32
    %mul3A_1 = arith.constant 10000 : i32
    %mul3A_2 = arith.muli %add3A, %mul3A_1 : i32
    %scan3A = arith.constant 0 : i32
    %scan3A_3 = arith.constant 0 : i32
    %scan3A_4 = arith.constant 125 : i32
    %scan3A_5 = arith.addi %scan3A_3, %scan3A_4 : i32
    %scan3A_6 = arith.constant 1 : i32
    scf.for %scan3A_8 = %scan3A_3 to %scan3A_5 step %scan3A_6  : i32 {
      %mul3A_9 = arith.constant 80 : i32
      %mul3A_10 = arith.muli %scan3A_8, %mul3A_9 : i32
      %add3A_11 = arith.addi %mul3A_2, %mul3A_10 : i32
      "tpu.region"() ({
        %run_scoped3A = tpu.sem_alloc : memref<!tpu.dma_semaphore, #tpu.memory_space<semaphore_mem>>
        %dma_start3A_22 = arith.constant 0 : i32
        %dma_start3A_23 = tpu.memref_slice %arg2[%add3A_11, %dma_start3A_22] : memref<320000x128xf32, #tpu.memory_space<hbm>> -> memref<80x128xf32, #tpu.memory_space<hbm>>
        %dma_start3A_24 = arith.constant 0 : i32
        %dma_start3A_25 = tpu.memref_slice %arg2[%add3A_11, %dma_start3A_24] : memref<320000x128xf32, #tpu.memory_space<hbm>> -> memref<80x128xf32, #tpu.memory_space<hbm>>
        tpu.enqueue_dma source(%dma_start3A_25 : memref<80x128xf32, #tpu.memory_space<hbm>>) target(%arg6 : memref<80x128xf32, #tpu.memory_space<vmem>>) target_semaphore(%run_scoped3A : memref<!tpu.dma_semaphore, #tpu.memory_space<semaphore_mem>>)
        %dma_wait3A_26 = arith.constant 0 : i32
        %dma_wait3A_27 = tpu.memref_slice %arg2[%add3A_11, %dma_wait3A_26] : memref<320000x128xf32, #tpu.memory_space<hbm>> -> memref<80x128xf32, #tpu.memory_space<hbm>>
        %dma_wait3A_28 = arith.constant 0 : i32
        %dma_wait3A_29 = tpu.memref_slice %arg2[%add3A_11, %dma_wait3A_28] : memref<320000x128xf32, #tpu.memory_space<hbm>> -> memref<80x128xf32, #tpu.memory_space<hbm>>
        tpu.wait_dma2 semaphore(%run_scoped3A : memref<!tpu.dma_semaphore, #tpu.memory_space<semaphore_mem>>) src(%dma_wait3A_29 : memref<80x128xf32, #tpu.memory_space<hbm>>) dst(%arg6 : memref<80x128xf32, #tpu.memory_space<vmem>>)
        tpu.yield
      }) : () -> ()
      "tpu.region"() ({
        %run_scoped3A = tpu.sem_alloc : memref<!tpu.dma_semaphore, #tpu.memory_space<semaphore_mem>>
        %dma_start3A_22 = tpu.memref_slice %arg3[%add3A_11] : memref<320000xi32, #tpu.memory_space<hbm>> -> memref<80xi32, #tpu.memory_space<hbm>>
        %dma_start3A_23 = tpu.memref_slice %arg3[%add3A_11] : memref<320000xi32, #tpu.memory_space<hbm>> -> memref<80xi32, #tpu.memory_space<hbm>>
        tpu.enqueue_dma source(%dma_start3A_23 : memref<80xi32, #tpu.memory_space<hbm>>) target(%arg7 : memref<80xi32, #tpu.memory_space<vmem>>) target_semaphore(%run_scoped3A : memref<!tpu.dma_semaphore, #tpu.memory_space<semaphore_mem>>)
        %dma_wait3A_24 = tpu.memref_slice %arg3[%add3A_11] : memref<320000xi32, #tpu.memory_space<hbm>> -> memref<80xi32, #tpu.memory_space<hbm>>
        %dma_wait3A_25 = tpu.memref_slice %arg3[%add3A_11] : memref<320000xi32, #tpu.memory_space<hbm>> -> memref<80xi32, #tpu.memory_space<hbm>>
        tpu.wait_dma2 semaphore(%run_scoped3A : memref<!tpu.dma_semaphore, #tpu.memory_space<semaphore_mem>>) src(%dma_wait3A_25 : memref<80xi32, #tpu.memory_space<hbm>>) dst(%arg7 : memref<80xi32, #tpu.memory_space<vmem>>)
        tpu.yield
      }) : () -> ()
      %dma_start3A = arith.constant 0 : i32
      %dma_start3A_12 = arith.constant 0 : i32
      %dma_start3A_13 = tpu.memref_slice %arg4[%dma_start3A, %dma_start3A_12] : memref<10000x128xf32, #tpu.memory_space<hbm>> -> memref<10000x128xf32, #tpu.memory_space<hbm>>
      tpu.enqueue_indirect_dma source(%dma_start3A_13 : memref<10000x128xf32, #tpu.memory_space<hbm>>) target(%arg8 : memref<80x128xf32, #tpu.memory_space<vmem>>) offsets(%arg7 : memref<80xi32, #tpu.memory_space<vmem>>) semaphore(%arg9 : memref<!tpu.dma_semaphore, #tpu.memory_space<semaphore_mem>>)
      %dma_wait3A = arith.constant 0 : i32
      %dma_wait3A_14 = arith.constant 0 : i32
      %dma_wait3A_15 = tpu.memref_slice %arg4[%dma_wait3A, %dma_wait3A_14] : memref<10000x128xf32, #tpu.memory_space<hbm>> -> memref<10000x128xf32, #tpu.memory_space<hbm>>
      tpu.wait_indirect_dma semaphore(%arg9 : memref<!tpu.dma_semaphore, #tpu.memory_space<semaphore_mem>>) src(%dma_wait3A_15 : memref<10000x128xf32, #tpu.memory_space<hbm>>) dst(%arg8 : memref<80x128xf32, #tpu.memory_space<vmem>>)
      %scan3A_16 = arith.constant 0 : i32
      %scan3A_17 = arith.constant 0 : i32
      %scan3A_18 = arith.constant 80 : i32
      %scan3A_19 = arith.addi %scan3A_17, %scan3A_18 : i32
      %scan3A_20 = arith.constant 1 : i32
      scf.for %scan3A_22 = %scan3A_17 to %scan3A_19 step %scan3A_20  : i32 {
        %get3A = arith.index_cast %scan3A_22 : i32 to index
        %get3A_23 = arith.constant 0 : index
        %get3A_24 = tpu.vector_load %arg6[%get3A, %get3A_23] {strides = array<i32>} : memref<80x128xf32, #tpu.memory_space<vmem>>, vector<1x16xf32>,
        %get3A_25 = vector.shape_cast %get3A_24 : vector<1x16xf32> to vector<16xf32>
        %exp3A = math.exp %get3A_25 : vector<16xf32>
        %get3A_26 = arith.index_cast %scan3A_22 : i32 to index
        %get3A_27 = arith.constant 0 : index
        %get3A_28 = tpu.vector_load %arg8[%get3A_26, %get3A_27] {strides = array<i32>} : memref<80x128xf32, #tpu.memory_space<vmem>>, vector<1x16xf32>,
        %get3A_29 = vector.shape_cast %get3A_28 : vector<1x16xf32> to vector<16xf32>
        %mul3A_30 = arith.mulf %exp3A, %get3A_29 : vector<16xf32>
        %swap3A = arith.index_cast %scan3A_22 : i32 to index
        %swap3A_31 = arith.constant 0 : index
        %swap3A_32 = tpu.vector_load %arg6[%swap3A, %swap3A_31] {strides = array<i32>} : memref<80x128xf32, #tpu.memory_space<vmem>>, vector<1x16xf32>,
        %swap3A_33 = vector.shape_cast %swap3A_32 : vector<1x16xf32> to vector<16xf32>
        %swap3A_34 = vector.shape_cast %mul3A_30 : vector<16xf32> to vector<1x16xf32>
        tpu.vector_store %arg6[%swap3A, %swap3A_31], %swap3A_34 {strides = array<i32>} : memref<80x128xf32, #tpu.memory_space<vmem>>, vector<1x16xf32>,
        %get3A_35 = arith.index_cast %scan3A_22 : i32 to index
        %get3A_36 = arith.constant 16 : index
        %get3A_37 = tpu.vector_load %arg6[%get3A_35, %get3A_36] {strides = array<i32>} : memref<80x128xf32, #tpu.memory_space<vmem>>, vector<1x16xf32>,
        %get3A_38 = vector.shape_cast %get3A_37 : vector<1x16xf32> to vector<16xf32>
        %exp3A_39 = math.exp %get3A_38 : vector<16xf32>
        %get3A_40 = arith.index_cast %scan3A_22 : i32 to index
        %get3A_41 = arith.constant 16 : index
        %get3A_42 = tpu.vector_load %arg8[%get3A_40, %get3A_41] {strides = array<i32>} : memref<80x128xf32, #tpu.memory_space<vmem>>, vector<1x16xf32>,
        %get3A_43 = vector.shape_cast %get3A_42 : vector<1x16xf32> to vector<16xf32>
        %mul3A_44 = arith.mulf %exp3A_39, %get3A_43 : vector<16xf32>
        %swap3A_45 = arith.index_cast %scan3A_22 : i32 to index
        %swap3A_46 = arith.constant 16 : index
        %swap3A_47 = tpu.vector_load %arg6[%swap3A_45, %swap3A_46] {strides = array<i32>} : memref<80x128xf32, #tpu.memory_space<vmem>>, vector<1x16xf32>,
        %swap3A_48 = vector.shape_cast %swap3A_47 : vector<1x16xf32> to vector<16xf32>
        %swap3A_49 = vector.shape_cast %mul3A_44 : vector<16xf32> to vector<1x16xf32>
        tpu.vector_store %arg6[%swap3A_45, %swap3A_46], %swap3A_49 {strides = array<i32>} : memref<80x128xf32, #tpu.memory_space<vmem>>, vector<1x16xf32>,
        %get3A_50 = arith.index_cast %scan3A_22 : i32 to index
        %get3A_51 = arith.constant 32 : index
        %get3A_52 = tpu.vector_load %arg6[%get3A_50, %get3A_51] {strides = array<i32>} : memref<80x128xf32, #tpu.memory_space<vmem>>, vector<1x16xf32>,
        %get3A_53 = vector.shape_cast %get3A_52 : vector<1x16xf32> to vector<16xf32>
        %exp3A_54 = math.exp %get3A_53 : vector<16xf32>
        %get3A_55 = arith.index_cast %scan3A_22 : i32 to index
        %get3A_56 = arith.constant 32 : index
        %get3A_57 = tpu.vector_load %arg8[%get3A_55, %get3A_56] {strides = array<i32>} : memref<80x128xf32, #tpu.memory_space<vmem>>, vector<1x16xf32>,
        %get3A_58 = vector.shape_cast %get3A_57 : vector<1x16xf32> to vector<16xf32>
        %mul3A_59 = arith.mulf %exp3A_54, %get3A_58 : vector<16xf32>
        %swap3A_60 = arith.index_cast %scan3A_22 : i32 to index
        %swap3A_61 = arith.constant 32 : index
        %swap3A_62 = tpu.vector_load %arg6[%swap3A_60, %swap3A_61] {strides = array<i32>} : memref<80x128xf32, #tpu.memory_space<vmem>>, vector<1x16xf32>,
        %swap3A_63 = vector.shape_cast %swap3A_62 : vector<1x16xf32> to vector<16xf32>
        %swap3A_64 = vector.shape_cast %mul3A_59 : vector<16xf32> to vector<1x16xf32>
        tpu.vector_store %arg6[%swap3A_60, %swap3A_61], %swap3A_64 {strides = array<i32>} : memref<80x128xf32, #tpu.memory_space<vmem>>, vector<1x16xf32>,
        %get3A_65 = arith.index_cast %scan3A_22 : i32 to index
        %get3A_66 = arith.constant 48 : index
        %get3A_67 = tpu.vector_load %arg6[%get3A_65, %get3A_66] {strides = array<i32>} : memref<80x128xf32, #tpu.memory_space<vmem>>, vector<1x16xf32>,
        %get3A_68 = vector.shape_cast %get3A_67 : vector<1x16xf32> to vector<16xf32>
        %exp3A_69 = math.exp %get3A_68 : vector<16xf32>
        %get3A_70 = arith.index_cast %scan3A_22 : i32 to index
        %get3A_71 = arith.constant 48 : index
        %get3A_72 = tpu.vector_load %arg8[%get3A_70, %get3A_71] {strides = array<i32>} : memref<80x128xf32, #tpu.memory_space<vmem>>, vector<1x16xf32>,
        %get3A_73 = vector.shape_cast %get3A_72 : vector<1x16xf32> to vector<16xf32>
        %mul3A_74 = arith.mulf %exp3A_69, %get3A_73 : vector<16xf32>
        %swap3A_75 = arith.index_cast %scan3A_22 : i32 to index
        %swap3A_76 = arith.constant 48 : index
        %swap3A_77 = tpu.vector_load %arg6[%swap3A_75, %swap3A_76] {strides = array<i32>} : memref<80x128xf32, #tpu.memory_space<vmem>>, vector<1x16xf32>,
        %swap3A_78 = vector.shape_cast %swap3A_77 : vector<1x16xf32> to vector<16xf32>
        %swap3A_79 = vector.shape_cast %mul3A_74 : vector<16xf32> to vector<1x16xf32>
        tpu.vector_store %arg6[%swap3A_75, %swap3A_76], %swap3A_79 {strides = array<i32>} : memref<80x128xf32, #tpu.memory_space<vmem>>, vector<1x16xf32>,
        %get3A_80 = arith.index_cast %scan3A_22 : i32 to index
        %get3A_81 = arith.constant 64 : index
        %get3A_82 = tpu.vector_load %arg6[%get3A_80, %get3A_81] {strides = array<i32>} : memref<80x128xf32, #tpu.memory_space<vmem>>, vector<1x16xf32>,
        %get3A_83 = vector.shape_cast %get3A_82 : vector<1x16xf32> to vector<16xf32>
        %exp3A_84 = math.exp %get3A_83 : vector<16xf32>
        %get3A_85 = arith.index_cast %scan3A_22 : i32 to index
        %get3A_86 = arith.constant 64 : index
        %get3A_87 = tpu.vector_load %arg8[%get3A_85, %get3A_86] {strides = array<i32>} : memref<80x128xf32, #tpu.memory_space<vmem>>, vector<1x16xf32>,
        %get3A_88 = vector.shape_cast %get3A_87 : vector<1x16xf32> to vector<16xf32>
        %mul3A_89 = arith.mulf %exp3A_84, %get3A_88 : vector<16xf32>
        %swap3A_90 = arith.index_cast %scan3A_22 : i32 to index
        %swap3A_91 = arith.constant 64 : index
        %swap3A_92 = tpu.vector_load %arg6[%swap3A_90, %swap3A_91] {strides = array<i32>} : memref<80x128xf32, #tpu.memory_space<vmem>>, vector<1x16xf32>,
        %swap3A_93 = vector.shape_cast %swap3A_92 : vector<1x16xf32> to vector<16xf32>
        %swap3A_94 = vector.shape_cast %mul3A_89 : vector<16xf32> to vector<1x16xf32>
        tpu.vector_store %arg6[%swap3A_90, %swap3A_91], %swap3A_94 {strides = array<i32>} : memref<80x128xf32, #tpu.memory_space<vmem>>, vector<1x16xf32>,
        %get3A_95 = arith.index_cast %scan3A_22 : i32 to index
        %get3A_96 = arith.constant 80 : index
        %get3A_97 = tpu.vector_load %arg6[%get3A_95, %get3A_96] {strides = array<i32>} : memref<80x128xf32, #tpu.memory_space<vmem>>, vector<1x16xf32>,
        %get3A_98 = vector.shape_cast %get3A_97 : vector<1x16xf32> to vector<16xf32>
        %exp3A_99 = math.exp %get3A_98 : vector<16xf32>
        %get3A_100 = arith.index_cast %scan3A_22 : i32 to index
        %get3A_101 = arith.constant 80 : index
        %get3A_102 = tpu.vector_load %arg8[%get3A_100, %get3A_101] {strides = array<i32>} : memref<80x128xf32, #tpu.memory_space<vmem>>, vector<1x16xf32>,
        %get3A_103 = vector.shape_cast %get3A_102 : vector<1x16xf32> to vector<16xf32>
        %mul3A_104 = arith.mulf %exp3A_99, %get3A_103 : vector<16xf32>
        %swap3A_105 = arith.index_cast %scan3A_22 : i32 to index
        %swap3A_106 = arith.constant 80 : index
        %swap3A_107 = tpu.vector_load %arg6[%swap3A_105, %swap3A_106] {strides = array<i32>} : memref<80x128xf32, #tpu.memory_space<vmem>>, vector<1x16xf32>,
        %swap3A_108 = vector.shape_cast %swap3A_107 : vector<1x16xf32> to vector<16xf32>
        %swap3A_109 = vector.shape_cast %mul3A_104 : vector<16xf32> to vector<1x16xf32>
        tpu.vector_store %arg6[%swap3A_105, %swap3A_106], %swap3A_109 {strides = array<i32>} : memref<80x128xf32, #tpu.memory_space<vmem>>, vector<1x16xf32>,
        %get3A_110 = arith.index_cast %scan3A_22 : i32 to index
        %get3A_111 = arith.constant 96 : index
        %get3A_112 = tpu.vector_load %arg6[%get3A_110, %get3A_111] {strides = array<i32>} : memref<80x128xf32, #tpu.memory_space<vmem>>, vector<1x16xf32>,
        %get3A_113 = vector.shape_cast %get3A_112 : vector<1x16xf32> to vector<16xf32>
        %exp3A_114 = math.exp %get3A_113 : vector<16xf32>
        %get3A_115 = arith.index_cast %scan3A_22 : i32 to index
        %get3A_116 = arith.constant 96 : index
        %get3A_117 = tpu.vector_load %arg8[%get3A_115, %get3A_116] {strides = array<i32>} : memref<80x128xf32, #tpu.memory_space<vmem>>, vector<1x16xf32>,
        %get3A_118 = vector.shape_cast %get3A_117 : vector<1x16xf32> to vector<16xf32>
        %mul3A_119 = arith.mulf %exp3A_114, %get3A_118 : vector<16xf32>
        %swap3A_120 = arith.index_cast %scan3A_22 : i32 to index
        %swap3A_121 = arith.constant 96 : index
        %swap3A_122 = tpu.vector_load %arg6[%swap3A_120, %swap3A_121] {strides = array<i32>} : memref<80x128xf32, #tpu.memory_space<vmem>>, vector<1x16xf32>,
        %swap3A_123 = vector.shape_cast %swap3A_122 : vector<1x16xf32> to vector<16xf32>
        %swap3A_124 = vector.shape_cast %mul3A_119 : vector<16xf32> to vector<1x16xf32>
        tpu.vector_store %arg6[%swap3A_120, %swap3A_121], %swap3A_124 {strides = array<i32>} : memref<80x128xf32, #tpu.memory_space<vmem>>, vector<1x16xf32>,
        %get3A_125 = arith.index_cast %scan3A_22 : i32 to index
        %get3A_126 = arith.constant 112 : index
        %get3A_127 = tpu.vector_load %arg6[%get3A_125, %get3A_126] {strides = array<i32>} : memref<80x128xf32, #tpu.memory_space<vmem>>, vector<1x16xf32>,
        %get3A_128 = vector.shape_cast %get3A_127 : vector<1x16xf32> to vector<16xf32>
        %exp3A_129 = math.exp %get3A_128 : vector<16xf32>
        %get3A_130 = arith.index_cast %scan3A_22 : i32 to index
        %get3A_131 = arith.constant 112 : index
        %get3A_132 = tpu.vector_load %arg8[%get3A_130, %get3A_131] {strides = array<i32>} : memref<80x128xf32, #tpu.memory_space<vmem>>, vector<1x16xf32>,
        %get3A_133 = vector.shape_cast %get3A_132 : vector<1x16xf32> to vector<16xf32>
        %mul3A_134 = arith.mulf %exp3A_129, %get3A_133 : vector<16xf32>
        %swap3A_135 = arith.index_cast %scan3A_22 : i32 to index
        %swap3A_136 = arith.constant 112 : index
        %swap3A_137 = tpu.vector_load %arg6[%swap3A_135, %swap3A_136] {strides = array<i32>} : memref<80x128xf32, #tpu.memory_space<vmem>>, vector<1x16xf32>,
        %swap3A_138 = vector.shape_cast %swap3A_137 : vector<1x16xf32> to vector<16xf32>
        %swap3A_139 = vector.shape_cast %mul3A_134 : vector<16xf32> to vector<1x16xf32>
        tpu.vector_store %arg6[%swap3A_135, %swap3A_136], %swap3A_139 {strides = array<i32>} : memref<80x128xf32, #tpu.memory_space<vmem>>, vector<1x16xf32>,
      }
      %scan3A_21 = arith.constant 80 : i32
      "tpu.region"() ({
        %run_scoped3A = tpu.sem_alloc : memref<!tpu.dma_semaphore, #tpu.memory_space<semaphore_mem>>
        %dma_start3A_22 = arith.constant 0 : i32
        %dma_start3A_23 = tpu.memref_slice %arg5[%add3A_11, %dma_start3A_22] : memref<320000x128xf32, #tpu.memory_space<hbm>> -> memref<80x128xf32, #tpu.memory_space<hbm>>
        %dma_start3A_24 = arith.constant 0 : i32
        %dma_start3A_25 = tpu.memref_slice %arg5[%add3A_11, %dma_start3A_24] : memref<320000x128xf32, #tpu.memory_space<hbm>> -> memref<80x128xf32, #tpu.memory_space<hbm>>
        tpu.enqueue_dma source(%arg6 : memref<80x128xf32, #tpu.memory_space<vmem>>) target(%dma_start3A_25 : memref<80x128xf32, #tpu.memory_space<hbm>>) target_semaphore(%run_scoped3A : memref<!tpu.dma_semaphore, #tpu.memory_space<semaphore_mem>>)
        %dma_wait3A_26 = arith.constant 0 : i32
        %dma_wait3A_27 = tpu.memref_slice %arg5[%add3A_11, %dma_wait3A_26] : memref<320000x128xf32, #tpu.memory_space<hbm>> -> memref<80x128xf32, #tpu.memory_space<hbm>>
        %dma_wait3A_28 = arith.constant 0 : i32
        %dma_wait3A_29 = tpu.memref_slice %arg5[%add3A_11, %dma_wait3A_28] : memref<320000x128xf32, #tpu.memory_space<hbm>> -> memref<80x128xf32, #tpu.memory_space<hbm>>
        tpu.wait_dma2 semaphore(%run_scoped3A : memref<!tpu.dma_semaphore, #tpu.memory_space<semaphore_mem>>) src(%arg6 : memref<80x128xf32, #tpu.memory_space<vmem>>) dst(%dma_wait3A_29 : memref<80x128xf32, #tpu.memory_space<hbm>>)
        tpu.yield
      }) : () -> ()
    }
    %scan3A_7 = arith.constant 125 : i32
    return
  }
}

module attributes {stable_mosaic.version = 14 : i64} {
  func.func @_combine_body(%arg0: memref<2x10000x128xf32, #tpu.memory_space<vmem>>, %arg1: memref<10000x128xf32, #tpu.memory_space<vmem>>) attributes {dimension_semantics = [], scalar_prefetch = 0 : i64, scratch_operands = 0 : i64, tpu.core_type = #tpu.core_type<tc>} {
    %get3A = arith.constant 0 : index
    %get3A_0 = arith.constant 0 : index
    %get3A_1 = arith.constant 0 : index
    %get3A_2 = vector.load %arg0[%get3A, %get3A_0, %get3A_1] : memref<2x10000x128xf32, #tpu.memory_space<vmem>>, vector<1x10000x128xf32>
    %get3A_3 = vector.shape_cast %get3A_2 : vector<1x10000x128xf32> to vector<10000x128xf32>
    %get3A_4 = arith.constant 1 : index
    %get3A_5 = arith.constant 0 : index
    %get3A_6 = arith.constant 0 : index
    %get3A_7 = vector.load %arg0[%get3A_4, %get3A_5, %get3A_6] : memref<2x10000x128xf32, #tpu.memory_space<vmem>>, vector<1x10000x128xf32>
    %get3A_8 = vector.shape_cast %get3A_7 : vector<1x10000x128xf32> to vector<10000x128xf32>
    %add3A = arith.addf %get3A_3, %get3A_8 : vector<10000x128xf32>
    %div3A = arith.constant 1.000000e+00 : f32
    %div3A_9 = vector.broadcast %div3A : f32 to vector<10000x128xf32>
    %div3A_10 = arith.divf %div3A_9, %add3A : vector<10000x128xf32>
    %swap3A = arith.constant 0 : index
    %swap3A_11 = arith.constant 0 : index
    %swap3A_12 = vector.load %arg1[%swap3A, %swap3A_11] : memref<10000x128xf32, #tpu.memory_space<vmem>>, vector<10000x128xf32>
    tpu.vector_store %arg1[%swap3A, %swap3A_11], %div3A_10 {strides = array<i32>} : memref<10000x128xf32, #tpu.memory_space<vmem>>, vector<10000x128xf32>,
    return
  }
}

</mosaic_0001>

<sc_bundles>
// kernel: kernel.5.cloned.1.call-start
scs
__scs_entry_jumppad:
0x0: {  	(pc) =	sbr.rel $0x88, $3  }
0x1: {  	(tag) =	ssettag $0x0;
	lr =	simm.s32 $0x1  }
0x2: {  	[smem:$0x3F9F] =	sst lr;
	_ =	strace $0xD0000000  }
0x3: {  	_ = 	snop  }
0x4: {  	_ = 	snop  }
0x5: {  	_ = 	snop  }
0x6: {  	_ = 	snop  }
0x7: {  	_ = 	snop  }
__scs_overlays_trampoline_lowered:
0x8: {  	[smem:$0x3FAE] =	sst s0  }
0x9: {  	[smem:$0x3FAF] =	sst s1  }
0xa: {  	[smem:$0x3FB0] =	sst s2  }
0xb: {  	[smem:$0x3FB1] =	sst s3  }
0xc: {  	[smem:$0x3FB2] =	sst s4  }
0xd: {  	[smem:$0x3FB3] =	sst s5  }
0xe: {  	[smem:$0x3FB4] =	sst s6  }
0xf: {  	[smem:$0x3FB5] =	sst s7  }
0x10: {  	[smem:$0x3FB6] =	sst s8  }
0x11: {  	[smem:$0x3FB7] =	sst s9;
	s0 =	simm.s32 @!p0 $0x0  }
0x12: {  	s1 =	sld [smem:$0x3F9D];
	s0 =	simm.s32 @p0 $0x1  }
0x13: {  	[smem:$0x3FB8] =	sst s0;
	s0 =	simm.s32 @!p1 $0x0  }
0x14: {  	s2 =	sld [smem:$0x3F9C];
	s0 =	simm.s32 @p1 $0x1  }
0x15: {  	[smem:$0x3FB9] =	sst s0;
	s0 =	simm.s32 @!p2 $0x0  }
0x16: {  	s3 =	sld [smem:$0x3FDB];
	s0 =	simm.s32 @p2 $0x1  }
0x17: {  	s4 =	simm.s32 $0x1BF5;
	[smem:$0x3FBB] =	sst s0  }
0x18: {  	s0 =	sld [smem:$0x3F9E];
	_ =	swait.ge [sflag:s4], $0x0  }
0x19: {  	s7 =	sld [smem:$0x3F9F]  }
0x1a: {  	s8 =	sadd.s32 $0xFFFFE003, lr  }
0x1b: {  	s9 =	sadd.s32 $0xFFFFFEF7, lr;
	s5 =	simm.s32 $0xFFFFFFFF;
	p2 =	slt.u32 s8, $0xFFFFF086  }
0x1c: {  	p1 =	slt.u32 s9, $0xF7A;
	s5 =	simm.s32 @!p2 $0x0  }
0x1d: {  	s5 =	simm.s32 @p1 $0x1;
	p0 =	seq.s32 s7, s2  }
0x1e: {  	s7 =	smul.u32 @!p0 $0xF7A, s2;
	p2 =	seq.s32 @!p0 s5, $0x0  }
0x1f: {  	s9 =	smul.u32 $0xF7A, s1;
	s8 =	simm.s32 @!p0 $0x1BF5;
	p2 =	por !p2, p0  }
0x20: {  	[sflag:s8] =	ssyncset.s32 @!p0 $0xFFFFF086;
	s6 =	sadd.s32 @!p0 s3, s7;
	s7 =	simm.s32 @!p0 $0x108  }
0x21: {  	s3 =	sadd.s32 s3, s9;
	s6 =	sadd.s32 @!p0 $0x88, s6;
	s7 =	simm.s32 @p2 $0x1082  }
0x22: {  	[simem:s7], [sflag:s8] =	dma.local @!p0 [hbm:s6], $0xF7A  }
0x23: {  	s9 =	sor.u32 $0xD0000000, s2;
	s6 =	simm.s32 $0x108;
	_ =	swait.ge @!p0 [sflag:s8], $0x0  }
0x24: {  	s3 =	sadd.s32 $0x88, s3;
	s6 =	simm.s32 @!p1 $0x1082;
	[sflag:s4] =	ssyncset.s32 $0xFFFFF086  }
0x25: {  	[simem:s6], [sflag:s4] =	dma.local [hbm:s3], $0xF7A  }
0x26: {  	[smem:$0x3F9F] =	sst s1;
	(tag) =	ssettag s2;
	_ =	strace s9  }
0x27: {  	s1 =	sld [smem:$0x3FAF]  }
0x28: {  	s2 =	sld [smem:$0x3FB0]  }
0x29: {  	s4 =	sld [smem:$0x3FB2]  }
0x2a: {  	p0 =	seq.s32 s5, $0x0;
	s5 =	sld [smem:$0x3FB3]  }
0x2b: {  	s6 =	sld [smem:$0x3FB4]  }
0x2c: {  	s7 =	sld [smem:$0x3FB5]  }
0x2d: {  	s3 =	simm.s32 $0x108;
	s8 =	sld [smem:$0x3FB6]  }
0x2e: {  	s3 =	simm.s32 @!p0 $0x1082;
	s9 =	sld [smem:$0x3FB7]  }
0x2f: {  	lr =	sadd.s32 s0, s3;
	s0 =	sld [smem:$0x3FAE]  }
0x30: {  	s3 =	sld [smem:$0x3FB1]  }
0x31: {  	[smem:$0x3FBA] =	sst s10  }
0x32: {  	s10 =	sld [smem:$0x3FB8];
	_ =	sdelay $0x3  }
0x33: {  	p0 =	seq.s32 s10, $0x1;
	s10 =	sld [smem:$0x3FBA];
	_ =	sdelay $0x3  }
0x34: {  	[smem:$0x3FBA] =	sst s10  }
0x35: {  	s10 =	sld [smem:$0x3FB9];
	_ =	sdelay $0x3  }
0x36: {  	p1 =	seq.s32 s10, $0x1;
	s10 =	sld [smem:$0x3FBA];
	_ =	sdelay $0x3  }
0x37: {  	[smem:$0x3FBA] =	sst s10  }
0x38: {  	s10 =	sld [smem:$0x3FBB]  }
0x39: {  	_ = 	snop;
	(pc) =	sbr.ind lr, $3  }
0x3a: {  	_ = 	snop  }
0x3b: {  	_ = 	snop  }
0x3c: {  	p2 =	seq.s32 s10, $0x1;
	s10 =	sld [smem:$0x3FBA]  }
0x3d: {  	_ =	shalt  }
0x3e: {  	_ =	shalt  }
0x3f: {  	_ =	shalt  }
0x40: {  	_ =	shalt  }
0x41: {  	_ =	shalt  }
0x42: {  	_ =	shalt  }
0x43: {  	_ =	shalt  }
0x44: {  	_ =	shalt  }
0x45: {  	_ =	shalt  }
0x46: {  	_ =	shalt  }
0x47: {  	_ =	shalt  }
0x48: {  	_ =	shalt  }
0x49: {  	_ =	shalt  }
0x4a: {  	_ =	shalt  }
0x4b: {  	_ =	shalt  }
0x4c: {  	_ =	shalt  }
0x4d: {  	_ =	shalt  }
0x4e: {  	_ =	shalt  }
0x4f: {  	_ =	shalt  }
0x50: {  	_ =	shalt  }
0x51: {  	_ =	shalt  }
0x52: {  	_ =	shalt  }
0x53: {  	_ =	shalt  }
0x54: {  	_ =	shalt  }
0x55: {  	_ =	shalt  }
0x56: {  	_ =	shalt  }
0x57: {  	_ =	shalt  }
0x58: {  	_ =	shalt  }
0x59: {  	_ =	shalt  }
0x5a: {  	_ =	shalt  }
0x5b: {  	_ =	shalt  }
0x5c: {  	_ =	shalt  }
0x5d: {  	_ =	shalt  }
0x5e: {  	_ =	shalt  }
0x5f: {  	_ =	shalt  }
0x60: {  	_ =	shalt  }
0x61: {  	_ =	shalt  }
0x62: {  	_ =	shalt  }
0x63: {  	_ =	shalt  }
0x64: {  	_ =	shalt  }
0x65: {  	_ =	shalt  }
0x66: {  	_ =	shalt  }
0x67: {  	_ =	shalt  }
0x68: {  	_ =	shalt  }
0x69: {  	_ =	shalt  }
0x6a: {  	_ =	shalt  }
0x6b: {  	_ =	shalt  }
0x6c: {  	_ =	shalt  }
0x6d: {  	_ =	shalt  }
0x6e: {  	_ =	shalt  }
0x6f: {  	_ =	shalt  }
0x70: {  	_ =	shalt  }
0x71: {  	_ =	shalt  }
0x72: {  	_ =	shalt  }
0x73: {  	_ =	shalt  }
0x74: {  	_ =	shalt  }
0x75: {  	_ =	shalt  }
0x76: {  	_ =	shalt  }
0x77: {  	_ =	shalt  }
0x78: {  	_ =	shalt  }
0x79: {  	_ =	shalt  }
0x7a: {  	_ =	shalt  }
0x7b: {  	_ =	shalt  }
0x7c: {  	_ =	shalt  }
0x7d: {  	_ =	shalt  }
0x7e: {  	_ =	shalt  }
0x7f: {  	_ =	shalt  }
0x80: {  	_ =	shalt  }
0x81: {  	_ =	shalt  }
0x82: {  	_ =	shalt  }
0x83: {  	_ =	shalt  }
0x84: {  	_ =	shalt  }
0x85: {  	_ =	shalt  }
0x86: {  	_ =	shalt  }
0x87: {  	_ =	shalt  }
.Lfunc_end0:
.L_simem_size_0:
called_computation_lowered:
.L_overlay_start_0:
0x88: {  	s2 =	sld [smem:$0x3FD9]  }
0x89: {  	s3 =	sld [smem:$0x3FFE];
	_ =	sdelay $0x1  }
0x8a: {  	s1 =	srdreg.scid  }
0x8b: {  	s0 =	sand.u32 $0x1, s1  }
0x8c: {  	s17 =	sshll.u32 s0, $0xA;
	s2 =	sadd.s32 s3, s2  }
0x8d: {  	s2 =	sadd.s32 s2, s17  }
0x8e: {  	[smem:$0x3FC6] =	sst s2  }
0x8f: {  	_ = 	snop  }
0x90: {  	s2 =	sld [smem:$0x3FC9]  }
0x91: {  	s18 =	sld [smem:$0x3FD0];
	(tm) =	ssettm $0x1  }
0x92: {  	s4 =	sld [smem:$0x3FFB];
	_ =	sdelay $0x3  }
0x93: {  	_ =	strace s4  }
0x94: {  	s4 =	sld [smem:$0x3FFC];
	_ =	sdelay $0x3  }
0x95: {  	_ =	strace s4  }
0x96: {  	s4 =	sld [smem:$0x3FFD];
	_ =	sdelay $0x3  }
0x97: {  	_ =	strace s4  }
0x98: {  	_ =	strace $0x8FFFFFFF  }
0x99: {  	s19 =	sld [smem:$0x3FDB];
	_ =	sdelay $0x1  }
0x9a: {  	s5 =	simm.s32 $_scs_section_size  }
0x9b: {  	s6 =	simm.s32 $_size__tile_overlayer_lowered;
	s7 =	simm.s32 $_tile_overlayer_lowered  }
0x9c: {  	s22 =	simm.s32 $0x1BFF;
	s21 =	sshll.u32 s7, $0x1;
	s4 =	sadd.s32 s5, s19  }
0x9d: {  	s8 =	simm.s32 $0x0;
	s20 =	sshll.u32 s6, $0x1;
	s6 =	sadd.s32 s21, s4  }
0x9e: {  	[timem:s8], [sflag:s22] =	dma.local [hbm:s6], s20  }
0x9f: {  	_ =	swait.ge [sflag:s22], s20  }
0xa0: {  	s5 =	ssub.s32 $0x0, s20;
	[sflag:s22] =	ssyncset.done $0x0  }
0xa1: {  	[sflag:s22] =	ssyncadd.s32 s5;
	_ =	sdelay $0x1  }
0xa2: {  	s23 =	simm.s32 $0x1B8B  }
0xa3: {  	_ =	swait.ge [sflag:s23], $0x1  }
0xa4: {  	[sflag:s23] =	ssyncset.done $0x0  }
0xa5: {  	s25 =	simm.s32 $0x1B8E;
	s24 =	sld [smem:$0x3FFE];
	[sflag:s23] =	ssyncadd.s32 $0xFFFFFFFF  }
0xa6: {  	s26 =	simm.s32 $execute0_lowered;
	[smem:$0x3FD2] =	sst s25  }
0xa7: {  	s6 =	sshll.u32 s26, $0x1;
	_ =	strace $0x80000046;
	[dreg:$0x1] =	wrdreg $0xFFFFFFFF  }
0xa8: {  	s28 =	simm.s32 $_size_execute0_lowered;
	s4 =	sadd.s32 s4, s6;
	[dreg:$0x0] =	wrdreg $0x0  }
0xa9: {  	s6 =	sshll.u32 s28, $0x1;
	[dreg:$0x2] =	wrdreg s4  }
0xaa: {  	[dreg:$0x3] =	wrdreg s6  }
0xab: {  	[dreg:$0x4] =	wrdreg $0xC0  }
0xac: {  	_ =	task [dreg:s8], $0x5FFFF  }
0xad: {  	[dreg:$0x1] =	wrdreg $0xFFFFFFFF  }
0xae: {  	[dreg:$0x0] =	wrdreg $0x60  }
0xaf: {  	[dreg:$0x2] =	wrdreg s2  }
0xb0: {  	[dreg:$0x3] =	wrdreg s24  }
0xb1: {  	[dreg:$0x4] =	wrdreg s18  }
0xb2: {  	[dreg:$0x5] =	wrdreg $0x0  }
0xb3: {  	[dreg:$0x6] =	wrdreg $0x9  }
0xb4: {  	_ =	task.clear_ibuf [dreg:s8], $0x7FFFF;
	_ =	strace $0x90000046  }
0xb5: {  	s29 =	simm.s32 $0x9;
	_ =	strace $0x80000048  }
0xb6: {  	_ =	swait.ge [sflag:s29], $0x1  }
0xb7: {  	[sflag:s29] =	ssyncadd.s32 $0xFFFFFFFF  }
0xb8: {  	_ =	strace $0x90000048  }
0xb9: {  	_ =	sfence  }
0xba: {  	s30 =	sld [smem:$0x0];
	_ =	sdelay $0x2  }
0xbb: {  	s31 =	sshll.u32 s1, $0xD;
	s1 =	sshrl.u32 s1, $0x2  }
0xbc: {  	s3 =	sand.u32 $0x4000, s31;
	s1 =	sadd.s32 s1, s30  }
0xbd: {  	s0 =	sor.u32 s3, s0;
	s1 =	sshll.u32 s1, $0x11  }
0xbe: {  	s0 =	sor.u32 s1, s0  }
0xbf: {  	s0 =	sadd.s32 $0x8F2B, s0  }
0xc0: {  	[sflag:s0] =	ssyncadd.remote.s32 $0x1  }
0xc1: {  	_ =	sfence.sel $0xFFFF  }
0xc2: {  	[dreg:$0x0] =	wrdreg $0xFFFFFFFF;
	(pc) =	sbr.abs _section_cstart, $3  }
0xc3: {  	[dreg:$0x1] =	wrdreg $0xFFFFFFFF  }
0xc4: {  	_ =	task.clear_ibuf [dreg:s8], $0x2FFFF;
	_ =	strace $0x9FFFFFFF  }
0xc5: {  	(tm) =	ssettm $0x7FFFFFFF  }
tec
execute0_lowered:
.L_overlay_start_1:
0x0: {  	(tag) =	ssettag $0x1  }
0x1: {  	s1 =	rddreg [dreg:$0x0]  }
0x2: {  	s9 =	rddreg [dreg:$0x1]  }
0x3: {  	s11 =	rddreg [dreg:$0x2]  }
0x4: {  	s3 =	rddreg [dreg:$0x3]  }
0x5: {  	s0 =	rddreg [dreg:$0x4]  }
0x6: {  	s4 =	simm.s32 $0x0;
	s2 =	stileid.u32;
	s5 =	srdreg.scid  }
0x7: {  	s16 =	simm.s32 $0x13880;
	s17 =	simm.s32 $0x16080;
	s18 =	simm.s32 $0x50  }
0x8: {  	[smem:$0x7FF] =	sst s4;
	s10 =	smul.u32 $0x13800, s2;
	s6 =	sand.u32 $0x1, s5  }
0x9: {  	s5 =	sadd.s32 $0x800, s9;
	s13 =	smul.u32 $0x4E000, s2;
	s15 =	sshll.u32 s2, $0x6  }
0xa: {  	p0 =	sne.s32 s2, $0xF;
	_ =	strace $0x80000047;
	s7 =	ssub.s32 $0x2, s6  }
0xb: {  	s31 =	sshll.u32 s6, $0x4;
	s14 =	smul.u32 $0x138800, s6;
	s8 =	sshrl.u32 s10, $0x3  }
0xc: {  	s12 =	sshrl.u32 s7, $0x1;
	s13 =	sshrl.u32 s13, $0x2;
	s8 =	sadd.s32 s8, s9  }
0xd: {  	s12 =	ssub.s32 s7, s12;
	s7 =	sor.u32 s2, s31;
	s13 =	sadd.s32 s13, s3  }
0xe: {  	s10 =	sadd.s32 s10, s14;
	s14 =	sshrl.u32 s14, $0x3;
	s9 =	sadd.s32 $0x31600, s9  }
0xf: {  	s6 =	smul.u32 $0x2710, s7;
	s7 =	sadd.s32 $0xA600, s8;
	s8 =	sor.u32 $0x1C01, s15  }
0x10: {  	s15 =	sadd.s32 $0x138000, s3;
	s10 =	sshrl.u32 s10, $0x3;
	s12 =	smax.u32 s12, $0x1  }
0x11: {  	s13 =	sshrl.u32 s13, $0x3;
	s10 =	sadd.s32 s11, s10;
	s11 =	sadd.s32 s11, s14  }
0x12: {  	s14 =	simm.s32 $0x1;
	s15 =	sshrl.u32 @!p0 s15, $0x3;
	s11 =	sadd.s32 $0x27000, s11  }
.LBB2_1:
0x13: {  	[spmem:s13], [sflag:s8] =	dma.local [hbm:s7], $0x2700  }
0x14: {  	_ =	swait.ge [sflag:s14], $0x2700  }
0x15: {  	[sflag:s14] =	ssyncset.done $0x0  }
0x16: {  	s19 =	simm.s32 @!p0 $0x1;
	[sflag:s14] =	ssyncadd.s32 $0xFFFFD900  }
0x17: {  	[spmem:s15], [sflag:s8] =	dma.local @!p0 [hbm:s9], $0x100  }
0x18: {  	_ =	swait.ge @!p0 [sflag:s19], $0x100  }
0x19: {  	[sflag:s19] =	ssyncset.done @!p0 $0x0  }
0x1a: {  	[sflag:s19] =	ssyncadd.s32 @!p0 $0xFFFFFF00  }
0x1b: {  	s19 =	simm.s32 $0x0;
	[bflag:$0x0] =	sbarrier.arrive $0xFFFF  }
.LBB2_2:
0x1c: {  	s20 =	smul.u32 $0x50, s19;
	_ =	sdelay $0x1  }
0x1d: {  	s20 =	sadd.s32 s6, s20  }
0x1e: {  	s21 =	sshll.u32 s20, $0x4  }
0x1f: {  	s22 =	simm.s32 $0x0;
	s21 =	sadd.s32 s1, s21  }
0x20: {  	[tilespmem:s16], [sflag:$0x1] =	stream.linear.gather [hbm4b:s21+s22], $0x2800, $0x38;
	[tilespmem:$0x16100] =	vst v63  }
0x21: {  	_ =	swait.ge [sflag:s14], $0x2800  }
0x22: {  	s20 =	sshrl.u32 s20, $0x3;
	[sflag:s14] =	ssyncset.done $0x0  }
0x23: {  	s20 =	sadd.s32 s5, s20;
	[sflag:s14] =	ssyncadd.s32 $0xFFFFD800  }
0x24: {  	[tilespmem:s17], [sflag:$0x1] =	stream.linear.gather [hbm4b:s20+s22], $0x50, $0x38;
	[tilespmem:$0x16100] =	vst v63  }
0x25: {  	_ =	swait.ge [sflag:s14], $0x50  }
0x26: {  	[sflag:s14] =	ssyncset.done $0x0  }
0x27: {  	s20 =	simm.s32 $0x0;
	[sflag:s14] =	ssyncadd.s32 $0xFFFFFFB0  }
0x28: {  	v4 =	vld [tilespmem:s20+$0x13880]  }
0x29: {  	v6 =	vld [tilespmem:s20+$0x13890]  }
0x2a: {  	v3 =	vld [tilespmem:s20+$0x138A0]  }
0x2b: {  	v0 =	vld [tilespmem:s20+$0x138B0]  }
0x2c: {  	v1 =	vld [tilespmem:s20+$0x138C0]  }
0x2d: {  	v2 =	vld [tilespmem:s20+$0x138D0];
	v5 =	vmul.f32 $1.442695020e+00, v4  }
0x2e: {  	s21 =	simm.s32 $0x200;
	v6 =	vmul.f32 $1.442695020e+00, v6;
	v4 =	vld [tilespmem:s20+$0x138E0]  }
.LBB2_3:
0x2f: {  	p1 =	sne.s32 s21, $0x9E00;
	v3 =	vmul.f32 $1.442695020e+00, v3;
	v7 =	vld [tilespmem:s20+$0x138F0];
	(erf) = vpow2.f32 v5  }
0x30: {  	v0 =	vmul.f32 $1.442695020e+00, v0;
	(erf) = vpow2.f32 v6  }
0x31: {  	v1 =	vmul.f32 $1.442695020e+00, v1;
	(erf) = vpow2.f32 v3  }
0x32: {  	v2 =	vmul.f32 $1.442695020e+00, v2;
	(erf) = vpow2.f32 v0  }
0x33: {  	v0 =	vmul.f32 $1.442695020e+00, v4;
	(erf) = vpow2.f32 v1  }
0x34: {  	v1 =	vmul.f32 $1.442695020e+00, v7;
	(erf) = vpow2.f32 v2  }
0x35: {  	(erf) = vpow2.f32 v0  }
0x36: {  	(erf) = vpow2.f32 v1;
	_ =	sdelay $0x1  }
0x37: {  	v0 =	vpop (erf)  }
0x38: {  	s22 =	sshra.s32 s21, $0x2;
	[tilespmem:s20+$0x13880] =	vst v0;
	v0 =	vpop (erf)  }
0x39: {  	v2 =	vld [tilespmem:s22+$0x13880];
	[tilespmem:s20+$0x13890] =	vst v0;
	v0 =	vpop (erf)  }
0x3a: {  	v4 =	vld [tilespmem:s22+$0x13890];
	[tilespmem:s20+$0x138A0] =	vst v0;
	v0 =	vpop (erf)  }
.Ltmp0:
0x3b: {  	v3 =	vld [tilespmem:s22+$0x138A0];
	[tilespmem:s20+$0x138B0] =	vst v0;
	v1 =	vpop (erf);
	(pc) =	sbr.rel @p1 .LBB2_3-.Ltmp0, $4  }
0x3c: {  	v0 =	vld [tilespmem:s22+$0x138B0];
	[tilespmem:s20+$0x138C0] =	vst v1;
	v5 =	vpop (erf)  }
0x3d: {  	v1 =	vld [tilespmem:s22+$0x138C0];
	[tilespmem:s20+$0x138D0] =	vst v5;
	v6 =	vpop (erf)  }
0x3e: {  	v5 =	vmul.f32 $1.442695020e+00, v2;
	v2 =	vld [tilespmem:s22+$0x138D0];
	[tilespmem:s20+$0x138E0] =	vst v6;
	v7 =	vpop (erf)  }
0x3f: {  	s21 =	sadd.s32 $0x200, s21;
	v6 =	vmul.f32 $1.442695020e+00, v4;
	v4 =	vld [tilespmem:s22+$0x138E0];
	[tilespmem:s20+$0x138F0] =	vst v7;
	s20 =	smov.u32 s22  }
0x40: {  	v3 =	vmul.f32 $1.442695020e+00, v3;
	v7 =	vld [tilespmem:s20+$0x138F0];
	(erf) = vpow2.f32 v5  }
0x41: {  	v0 =	vmul.f32 $1.442695020e+00, v0;
	(erf) = vpow2.f32 v6  }
0x42: {  	v1 =	vmul.f32 $1.442695020e+00, v1;
	(erf) = vpow2.f32 v3  }
0x43: {  	v2 =	vmul.f32 $1.442695020e+00, v2;
	(erf) = vpow2.f32 v0  }
0x44: {  	v54 =	vmul.f32 $1.442695020e+00, v4;
	(erf) = vpow2.f32 v1  }
0x45: {  	v55 =	vmul.f32 $1.442695020e+00, v7;
	(erf) = vpow2.f32 v2  }
0x46: {  	(erf) = vpow2.f32 v54  }
0x47: {  	(erf) = vpow2.f32 v55;
	_ =	sdelay $0x1  }
0x48: {  	v56 =	vpop (erf)  }
0x49: {  	[tilespmem:s20+$0x13880] =	vst v56;
	v57 =	vpop (erf)  }
0x4a: {  	[tilespmem:s20+$0x13890] =	vst v57;
	v58 =	vpop (erf)  }
0x4b: {  	[tilespmem:s20+$0x138A0] =	vst v58;
	v59 =	vpop (erf)  }
0x4c: {  	[tilespmem:s20+$0x138B0] =	vst v59;
	v60 =	vpop (erf)  }
0x4d: {  	[tilespmem:s20+$0x138C0] =	vst v60;
	v61 =	vpop (erf)  }
0x4e: {  	s19 =	sadd.s32 $0x1, s19;
	[tilespmem:s20+$0x138D0] =	vst v61;
	v62 =	vpop (erf)  }
0x4f: {  	p1 =	sne.s32 s19, $0x7D;
	[tilespmem:s20+$0x138E0] =	vst v62;
	v63 =	vpop (erf)  }
.Ltmp1:
0x50: {  	[tilespmem:s20+$0x138F0] =	vst v63;
	(pc) =	sbr.rel @p1 .LBB2_2-.Ltmp1, $4  }
0x51: {  	[spmem:s3] =	stream.indirect.scatter.add.f32 [tilespmem:s16], [sflag:$0x1], $0x80, s17, s18, $0xb8;
	[tilespmem:$0x16100] =	vst v63  }
0x52: {  	_ =	swait.ge [sflag:s14], $0x2800  }
0x53: {  	[sflag:s14] =	ssyncset.done $0x0  }
0x54: {  	[sflag:s14] =	ssyncadd.s32 $0xFFFFD800  }
0x55: {  	[bflag:$0x0] =	sbarrier.arrive $0xFFFF  }
0x56: {  	[hbm:s10], [sflag:s8] =	dma.local [spmem:s13], $0x2700  }
0x57: {  	s4 =	sadd.s32 $0x1, s4;
	_ =	swait.ge [sflag:s14], $0x2700  }
0x58: {  	p1 =	sne.s32 s4, s12;
	[sflag:s14] =	ssyncset.done $0x0  }
.Ltmp2:
0x59: {  	s19 =	simm.s32 @!p0 $0x1;
	[sflag:s14] =	ssyncadd.s32 $0xFFFFD900;
	(pc) =	sbr.rel @p1 .LBB2_1-.Ltmp2, $4  }
0x5a: {  	[hbm:s11], [sflag:s8] =	dma.local @!p0 [spmem:s15], $0x100  }
0x5b: {  	_ =	swait.ge @!p0 [sflag:s19], $0x100  }
0x5c: {  	[sflag:s19] =	ssyncset.done @!p0 $0x0  }
0x5d: {  	[sflag:s19] =	ssyncadd.s32 @!p0 $0xFFFFFF00  }
0x5e: {  	_ =	sfence.sel $0x180000  }
0x5f: {  	[bflag:$0x0] =	sbarrier.arrive $0xFFFF  }
0x60: {  	p0 =	sne.s32 s2, $0x0;
	_ =	strace $0x90000047  }
0x61: {  	s0 =	sadd.s32 @!p0 $0x100000, s0;
	[bflag:$0x2] =	sbarrier.arrive $0xFFFF  }
0x62: {  	[sflag:s0] =	ssyncadd.tile.s32 @!p0 $0x1;
	_ =	shalt  }
.Lfunc_end2:
_tile_overlayer_lowered:
.L_overlay_start_2:
0x63: {  	(tag) =	ssettag $0x2  }
0x64: {  	s0 =	rddreg [dreg:$0x0];
	s2 =	stileid.u32  }
0x65: {  	s1 =	rddreg [dreg:$0x1];
	p0 =	sne.s32 s2, $0x0  }
0x66: {  	s3 =	rddreg [dreg:$0x2];
	[bflag:$0x3] =	sbarrier.arrive $0xFFFF;
	s2 =	simm.s32 @!p0 $0x1C01  }
0x67: {  	[timem:s3], [sflag:s2] =	dma.local @!p0 [hbm:s0], s1  }
0x68: {  	s0 =	simm.s32 @!p0 $0x1  }
0x69: {  	_ =	swait.ge @!p0 [sflag:s0], s1  }
0x6a: {  	s1 =	ssub.s32 @!p0 $0x0, s1;
	[sflag:s0] =	ssyncset.done @!p0 $0x0  }
0x6b: {  	[sflag:s0] =	ssyncadd.s32 @!p0 s1  }
0x6c: {  	[bflag:$0x3] =	sbarrier.arrive $0xFFFF  }
0x6d: {  	_ =	shalt  }

// kernel: kernel.8.cloned.1.call-start
scs
__scs_entry_jumppad:
0x0: {  	(pc) =	sbr.rel $0x88, $3  }
0x1: {  	(tag) =	ssettag $0x0;
	lr =	simm.s32 $0x1  }
0x2: {  	[smem:$0x3F9F] =	sst lr;
	_ =	strace $0xD0000000  }
0x3: {  	_ = 	snop  }
0x4: {  	_ = 	snop  }
0x5: {  	_ = 	snop  }
0x6: {  	_ = 	snop  }
0x7: {  	_ = 	snop  }
__scs_overlays_trampoline_lowered:
0x8: {  	[smem:$0x3FAE] =	sst s0  }
0x9: {  	[smem:$0x3FAF] =	sst s1  }
0xa: {  	[smem:$0x3FB0] =	sst s2  }
0xb: {  	[smem:$0x3FB1] =	sst s3  }
0xc: {  	[smem:$0x3FB2] =	sst s4  }
0xd: {  	[smem:$0x3FB3] =	sst s5  }
0xe: {  	[smem:$0x3FB4] =	sst s6  }
0xf: {  	[smem:$0x3FB5] =	sst s7  }
0x10: {  	[smem:$0x3FB6] =	sst s8  }
0x11: {  	[smem:$0x3FB7] =	sst s9;
	s0 =	simm.s32 @!p0 $0x0  }
0x12: {  	s1 =	sld [smem:$0x3F9D];
	s0 =	simm.s32 @p0 $0x1  }
0x13: {  	[smem:$0x3FB8] =	sst s0;
	s0 =	simm.s32 @!p1 $0x0  }
0x14: {  	s2 =	sld [smem:$0x3F9C];
	s0 =	simm.s32 @p1 $0x1  }
0x15: {  	[smem:$0x3FB9] =	sst s0;
	s0 =	simm.s32 @!p2 $0x0  }
0x16: {  	s3 =	sld [smem:$0x3FDB];
	s0 =	simm.s32 @p2 $0x1  }
0x17: {  	s4 =	simm.s32 $0x1BF5;
	[smem:$0x3FBB] =	sst s0  }
0x18: {  	s0 =	sld [smem:$0x3F9E];
	_ =	swait.ge [sflag:s4], $0x0  }
0x19: {  	s7 =	sld [smem:$0x3F9F]  }
0x1a: {  	s8 =	sadd.s32 $0xFFFFE003, lr  }
0x1b: {  	s9 =	sadd.s32 $0xFFFFFEF7, lr;
	s5 =	simm.s32 $0xFFFFFFFF;
	p2 =	slt.u32 s8, $0xFFFFF086  }
0x1c: {  	p1 =	slt.u32 s9, $0xF7A;
	s5 =	simm.s32 @!p2 $0x0  }
0x1d: {  	s5 =	simm.s32 @p1 $0x1;
	p0 =	seq.s32 s7, s2  }
0x1e: {  	s7 =	smul.u32 @!p0 $0xF7A, s2;
	p2 =	seq.s32 @!p0 s5, $0x0  }
0x1f: {  	s9 =	smul.u32 $0xF7A, s1;
	s8 =	simm.s32 @!p0 $0x1BF5;
	p2 =	por !p2, p0  }
0x20: {  	[sflag:s8] =	ssyncset.s32 @!p0 $0xFFFFF086;
	s6 =	sadd.s32 @!p0 s3, s7;
	s7 =	simm.s32 @!p0 $0x108  }
0x21: {  	s3 =	sadd.s32 s3, s9;
	s6 =	sadd.s32 @!p0 $0x88, s6;
	s7 =	simm.s32 @p2 $0x1082  }
0x22: {  	[simem:s7], [sflag:s8] =	dma.local @!p0 [hbm:s6], $0xF7A  }
0x23: {  	s9 =	sor.u32 $0xD0000000, s2;
	s6 =	simm.s32 $0x108;
	_ =	swait.ge @!p0 [sflag:s8], $0x0  }
0x24: {  	s3 =	sadd.s32 $0x88, s3;
	s6 =	simm.s32 @!p1 $0x1082;
	[sflag:s4] =	ssyncset.s32 $0xFFFFF086  }
0x25: {  	[simem:s6], [sflag:s4] =	dma.local [hbm:s3], $0xF7A  }
0x26: {  	[smem:$0x3F9F] =	sst s1;
	(tag) =	ssettag s2;
	_ =	strace s9  }
0x27: {  	s1 =	sld [smem:$0x3FAF]  }
0x28: {  	s2 =	sld [smem:$0x3FB0]  }
0x29: {  	s4 =	sld [smem:$0x3FB2]  }
0x2a: {  	p0 =	seq.s32 s5, $0x0;
	s5 =	sld [smem:$0x3FB3]  }
0x2b: {  	s6 =	sld [smem:$0x3FB4]  }
0x2c: {  	s7 =	sld [smem:$0x3FB5]  }
0x2d: {  	s3 =	simm.s32 $0x108;
	s8 =	sld [smem:$0x3FB6]  }
0x2e: {  	s3 =	simm.s32 @!p0 $0x1082;
	s9 =	sld [smem:$0x3FB7]  }
0x2f: {  	lr =	sadd.s32 s0, s3;
	s0 =	sld [smem:$0x3FAE]  }
0x30: {  	s3 =	sld [smem:$0x3FB1]  }
0x31: {  	[smem:$0x3FBA] =	sst s10  }
0x32: {  	s10 =	sld [smem:$0x3FB8];
	_ =	sdelay $0x3  }
0x33: {  	p0 =	seq.s32 s10, $0x1;
	s10 =	sld [smem:$0x3FBA];
	_ =	sdelay $0x3  }
0x34: {  	[smem:$0x3FBA] =	sst s10  }
0x35: {  	s10 =	sld [smem:$0x3FB9];
	_ =	sdelay $0x3  }
0x36: {  	p1 =	seq.s32 s10, $0x1;
	s10 =	sld [smem:$0x3FBA];
	_ =	sdelay $0x3  }
0x37: {  	[smem:$0x3FBA] =	sst s10  }
0x38: {  	s10 =	sld [smem:$0x3FBB]  }
0x39: {  	_ = 	snop;
	(pc) =	sbr.ind lr, $3  }
0x3a: {  	_ = 	snop  }
0x3b: {  	_ = 	snop  }
0x3c: {  	p2 =	seq.s32 s10, $0x1;
	s10 =	sld [smem:$0x3FBA]  }
0x3d: {  	_ =	shalt  }
0x3e: {  	_ =	shalt  }
0x3f: {  	_ =	shalt  }
0x40: {  	_ =	shalt  }
0x41: {  	_ =	shalt  }
0x42: {  	_ =	shalt  }
0x43: {  	_ =	shalt  }
0x44: {  	_ =	shalt  }
0x45: {  	_ =	shalt  }
0x46: {  	_ =	shalt  }
0x47: {  	_ =	shalt  }
0x48: {  	_ =	shalt  }
0x49: {  	_ =	shalt  }
0x4a: {  	_ =	shalt  }
0x4b: {  	_ =	shalt  }
0x4c: {  	_ =	shalt  }
0x4d: {  	_ =	shalt  }
0x4e: {  	_ =	shalt  }
0x4f: {  	_ =	shalt  }
0x50: {  	_ =	shalt  }
0x51: {  	_ =	shalt  }
0x52: {  	_ =	shalt  }
0x53: {  	_ =	shalt  }
0x54: {  	_ =	shalt  }
0x55: {  	_ =	shalt  }
0x56: {  	_ =	shalt  }
0x57: {  	_ =	shalt  }
0x58: {  	_ =	shalt  }
0x59: {  	_ =	shalt  }
0x5a: {  	_ =	shalt  }
0x5b: {  	_ =	shalt  }
0x5c: {  	_ =	shalt  }
0x5d: {  	_ =	shalt  }
0x5e: {  	_ =	shalt  }
0x5f: {  	_ =	shalt  }
0x60: {  	_ =	shalt  }
0x61: {  	_ =	shalt  }
0x62: {  	_ =	shalt  }
0x63: {  	_ =	shalt  }
0x64: {  	_ =	shalt  }
0x65: {  	_ =	shalt  }
0x66: {  	_ =	shalt  }
0x67: {  	_ =	shalt  }
0x68: {  	_ =	shalt  }
0x69: {  	_ =	shalt  }
0x6a: {  	_ =	shalt  }
0x6b: {  	_ =	shalt  }
0x6c: {  	_ =	shalt  }
0x6d: {  	_ =	shalt  }
0x6e: {  	_ =	shalt  }
0x6f: {  	_ =	shalt  }
0x70: {  	_ =	shalt  }
0x71: {  	_ =	shalt  }
0x72: {  	_ =	shalt  }
0x73: {  	_ =	shalt  }
0x74: {  	_ =	shalt  }
0x75: {  	_ =	shalt  }
0x76: {  	_ =	shalt  }
0x77: {  	_ =	shalt  }
0x78: {  	_ =	shalt  }
0x79: {  	_ =	shalt  }
0x7a: {  	_ =	shalt  }
0x7b: {  	_ =	shalt  }
0x7c: {  	_ =	shalt  }
0x7d: {  	_ =	shalt  }
0x7e: {  	_ =	shalt  }
0x7f: {  	_ =	shalt  }
0x80: {  	_ =	shalt  }
0x81: {  	_ =	shalt  }
0x82: {  	_ =	shalt  }
0x83: {  	_ =	shalt  }
0x84: {  	_ =	shalt  }
0x85: {  	_ =	shalt  }
0x86: {  	_ =	shalt  }
0x87: {  	_ =	shalt  }
.Lfunc_end0:
.L_simem_size_0:
called_computation.1_lowered:
.L_overlay_start_0:
0x88: {  	s2 =	sld [smem:$0x3FD9]  }
0x89: {  	s3 =	sld [smem:$0x3FFE];
	_ =	sdelay $0x1  }
0x8a: {  	s1 =	srdreg.scid  }
0x8b: {  	s0 =	sand.u32 $0x1, s1  }
0x8c: {  	s17 =	sshll.u32 s0, $0xA;
	s2 =	sadd.s32 s3, s2  }
0x8d: {  	s2 =	sadd.s32 s2, s17  }
0x8e: {  	[smem:$0x3FC6] =	sst s2  }
0x8f: {  	_ = 	snop  }
0x90: {  	s2 =	sld [smem:$0x3FC9]  }
0x91: {  	s18 =	sld [smem:$0x3FD0];
	(tm) =	ssettm $0x1  }
0x92: {  	s4 =	sld [smem:$0x3FFB];
	_ =	sdelay $0x3  }
0x93: {  	_ =	strace s4  }
0x94: {  	s4 =	sld [smem:$0x3FFC];
	_ =	sdelay $0x3  }
0x95: {  	_ =	strace s4  }
0x96: {  	s4 =	sld [smem:$0x3FFD];
	_ =	sdelay $0x3  }
0x97: {  	_ =	strace s4  }
0x98: {  	_ =	strace $0x8FFFFFFF  }
0x99: {  	s19 =	sld [smem:$0x3FDB];
	_ =	sdelay $0x1  }
0x9a: {  	s5 =	simm.s32 $_scs_section_size  }
0x9b: {  	s6 =	simm.s32 $_size__tile_overlayer_lowered;
	s7 =	simm.s32 $_tile_overlayer_lowered  }
0x9c: {  	s22 =	simm.s32 $0x1BFF;
	s21 =	sshll.u32 s7, $0x1;
	s4 =	sadd.s32 s5, s19  }
0x9d: {  	s8 =	simm.s32 $0x0;
	s20 =	sshll.u32 s6, $0x1;
	s6 =	sadd.s32 s21, s4  }
0x9e: {  	[timem:s8], [sflag:s22] =	dma.local [hbm:s6], s20  }
0x9f: {  	_ =	swait.ge [sflag:s22], s20  }
0xa0: {  	s5 =	ssub.s32 $0x0, s20;
	[sflag:s22] =	ssyncset.done $0x0  }
0xa1: {  	[sflag:s22] =	ssyncadd.s32 s5;
	_ =	sdelay $0x1  }
0xa2: {  	s23 =	simm.s32 $0x1B8B  }
0xa3: {  	_ =	swait.ge [sflag:s23], $0x1  }
0xa4: {  	[sflag:s23] =	ssyncset.done $0x0  }
0xa5: {  	s25 =	simm.s32 $0x1B8E;
	s24 =	sld [smem:$0x3FFE];
	[sflag:s23] =	ssyncadd.s32 $0xFFFFFFFF  }
0xa6: {  	s26 =	simm.s32 $execute0_lowered;
	[smem:$0x3FD2] =	sst s25  }
0xa7: {  	s6 =	sshll.u32 s26, $0x1;
	_ =	strace $0x80000049;
	[dreg:$0x1] =	wrdreg $0xFFFFFFFF  }
0xa8: {  	s28 =	simm.s32 $_size_execute0_lowered;
	s4 =	sadd.s32 s4, s6;
	[dreg:$0x0] =	wrdreg $0x0  }
0xa9: {  	s6 =	sshll.u32 s28, $0x1;
	[dreg:$0x2] =	wrdreg s4  }
0xaa: {  	[dreg:$0x3] =	wrdreg s6  }
0xab: {  	[dreg:$0x4] =	wrdreg $0xC0  }
0xac: {  	_ =	task [dreg:s8], $0x5FFFF  }
0xad: {  	[dreg:$0x1] =	wrdreg $0xFFFFFFFF  }
0xae: {  	[dreg:$0x0] =	wrdreg $0x60  }
0xaf: {  	[dreg:$0x2] =	wrdreg s2  }
0xb0: {  	[dreg:$0x3] =	wrdreg s24  }
0xb1: {  	[dreg:$0x4] =	wrdreg s18  }
0xb2: {  	[dreg:$0x5] =	wrdreg $0x9  }
0xb3: {  	_ =	task.clear_ibuf [dreg:s8], $0x6FFFF;
	_ =	strace $0x90000049  }
0xb4: {  	s29 =	simm.s32 $0x9;
	_ =	strace $0x8000004B  }
0xb5: {  	_ =	swait.ge [sflag:s29], $0x1  }
0xb6: {  	[sflag:s29] =	ssyncadd.s32 $0xFFFFFFFF  }
0xb7: {  	_ =	strace $0x9000004B  }
0xb8: {  	_ =	sfence  }
0xb9: {  	s30 =	sld [smem:$0x0];
	_ =	sdelay $0x2  }
0xba: {  	s31 =	sshll.u32 s1, $0xD;
	s1 =	sshrl.u32 s1, $0x2  }
0xbb: {  	s3 =	sand.u32 $0x4000, s31;
	s1 =	sadd.s32 s1, s30  }
0xbc: {  	s0 =	sor.u32 s3, s0;
	s1 =	sshll.u32 s1, $0x11  }
0xbd: {  	s0 =	sor.u32 s1, s0  }
0xbe: {  	s0 =	sadd.s32 $0x8F2B, s0  }
0xbf: {  	[sflag:s0] =	ssyncadd.remote.s32 $0x1  }
0xc0: {  	_ =	sfence.sel $0xFFFF  }
0xc1: {  	[dreg:$0x0] =	wrdreg $0xFFFFFFFF;
	(pc) =	sbr.abs _section_cstart, $3  }
0xc2: {  	[dreg:$0x1] =	wrdreg $0xFFFFFFFF  }
0xc3: {  	_ =	task.clear_ibuf [dreg:s8], $0x2FFFF;
	_ =	strace $0x9FFFFFFF  }
0xc4: {  	(tm) =	ssettm $0x7FFFFFFF  }
0xc5: {  	_ =	shalt  }
tec
execute0_lowered:
.L_overlay_start_1:
0x0: {  	(tag) =	ssettag $0x1  }
0x1: {  	s1 =	rddreg [dreg:$0x0]  }
0x2: {  	s6 =	rddreg [dreg:$0x1]  }
0x3: {  	s2 =	rddreg [dreg:$0x2]  }
0x4: {  	s0 =	rddreg [dreg:$0x3]  }
0x5: {  	s3 =	simm.s32 $0x0;
	s4 =	srdreg.scid;
	s10 =	simm.s32 $0x2800  }
0x6: {  	s11 =	simm.s32 $0x50;
	s12 =	simm.s32 $0x2880;
	s13 =	simm.s32 $0x1  }
0x7: {  	s14 =	simm.s32 $0x0;
	[smem:$0x7FF] =	sst s3;
	s5 =	sand.u32 $0x1, s4  }
0x8: {  	s4 =	stileid.u32;
	_ =	strace $0x8000004A;
	s7 =	ssub.s32 $0x2, s5  }
0x9: {  	s9 =	sshll.u32 s5, $0x4;
	s5 =	sadd.s32 $0x800, s6;
	s8 =	sshrl.u32 s7, $0x1  }
0xa: {  	s6 =	sadd.s32 $0xA600, s6;
	s31 =	sor.u32 s4, s9;
	s8 =	ssub.s32 s7, s8  }
0xb: {  	s9 =	simm.s32 $0x2;
	s7 =	smul.u32 $0x2710, s31;
	s8 =	smax.u32 s8, $0x1  }
.LBB2_1:
0xc: {  	s15 =	simm.s32 $0x0  }
.LBB2_2:
0xd: {  	s16 =	smul.u32 $0x50, s15;
	_ =	sdelay $0x1  }
0xe: {  	s17 =	sadd.s32 s7, s16  }
0xf: {  	s16 =	sshll.u32 s17, $0x4  }
0x10: {  	s19 =	simm.s32 $0x0;
	s18 =	sadd.s32 s1, s16  }
0x11: {  	[tilespmem:s19], [sflag:$0x2] =	stream.linear.gather [hbm4b:s18+s19], $0x2800, $0x38;
	[tilespmem:$0x5080] =	vst v63  }
0x12: {  	_ =	swait.ge [sflag:s9], $0x2800  }
0x13: {  	s17 =	sshrl.u32 s17, $0x3;
	[sflag:s9] =	ssyncset.done $0x0  }
0x14: {  	s17 =	sadd.s32 s5, s17;
	[sflag:s9] =	ssyncadd.s32 $0xFFFFD800  }
0x15: {  	[tilespmem:s10], [sflag:$0x2] =	stream.linear.gather [hbm4b:s17+s19], $0x50, $0x38;
	[tilespmem:$0x5080] =	vst v63  }
0x16: {  	_ =	swait.ge [sflag:s9], $0x50  }
0x17: {  	[sflag:s9] =	ssyncset.done $0x0  }
0x18: {  	[sflag:s9] =	ssyncadd.s32 $0xFFFFFFB0  }
0x19: {  	[tilespmem:s12], [sflag:$0x1] =	stream.indirect.gather [hbm4b:s6+s11], $0x80, s10, s11, $0xb8;
	[tilespmem:$0x5080] =	vst v63  }
0x1a: {  	_ =	swait.ge [sflag:s13], $0x2800  }
0x1b: {  	[sflag:s13] =	ssyncset.done $0x0  }
0x1c: {  	s17 =	simm.s32 $0x0;
	[sflag:s13] =	ssyncadd.s32 $0xFFFFD800  }
0x1d: {  	v4 =	vld [tilespmem:s17+$0x0]  }
0x1e: {  	v5 =	vld [tilespmem:s17+$0x10]  }
0x1f: {  	v0 =	vld [tilespmem:s17+$0x20]  }
0x20: {  	v1 =	vld [tilespmem:s17+$0x30]  }
0x21: {  	v2 =	vld [tilespmem:s17+$0x40]  }
0x22: {  	v3 =	vld [tilespmem:s17+$0x50];
	v6 =	vmul.f32 $1.442695020e+00, v4  }
0x23: {  	s18 =	simm.s32 $0x200;
	v5 =	vmul.f32 $1.442695020e+00, v5;
	v4 =	vld [tilespmem:s17+$0x60]  }
.LBB2_3:
0x24: {  	p0 =	sne.s32 s18, $0x9E00;
	v0 =	vmul.f32 $1.442695020e+00, v0;
	v7 =	vld [tilespmem:s17+$0x70];
	(erf) = vpow2.f32 v6  }
0x25: {  	v1 =	vmul.f32 $1.442695020e+00, v1;
	(erf) = vpow2.f32 v5  }
0x26: {  	v2 =	vmul.f32 $1.442695020e+00, v2;
	(erf) = vpow2.f32 v0  }
0x27: {  	v0 =	vmul.f32 $1.442695020e+00, v3;
	(erf) = vpow2.f32 v1  }
0x28: {  	v1 =	vmul.f32 $1.442695020e+00, v4;
	(erf) = vpow2.f32 v2  }
0x29: {  	v2 =	vld [tilespmem:s17+$0x2880];
	v3 =	vmul.f32 $1.442695020e+00, v7;
	(erf) = vpow2.f32 v0  }
0x2a: {  	v0 =	vld [tilespmem:s17+$0x2890];
	(erf) = vpow2.f32 v1  }
0x2b: {  	v1 =	vld [tilespmem:s17+$0x28A0];
	(erf) = vpow2.f32 v3  }
0x2c: {  	v3 =	vld [tilespmem:s17+$0x28B0]  }
0x2d: {  	v4 =	vld [tilespmem:s17+$0x28C0];
	v5 =	vpop (erf)  }
0x2e: {  	v8 =	vmul.f32 v5, v2;
	v5 =	vld [tilespmem:s17+$0x28D0];
	v6 =	vpop (erf)  }
0x2f: {  	v9 =	vmul.f32 v6, v0;
	v6 =	vld [tilespmem:s17+$0x28E0];
	v7 =	vpop (erf)  }
0x30: {  	s19 =	sshra.s32 s18, $0x2;
	[tilespmem:s17+$0x0] =	vst v8;
	v10 =	vmul.f32 v7, v1;
	v7 =	vld [tilespmem:s17+$0x28F0];
	v2 =	vpop (erf)  }
0x31: {  	v8 =	vld [tilespmem:s19+$0x0];
	[tilespmem:s17+$0x10] =	vst v9;
	v11 =	vmul.f32 v2, v3;
	v0 =	vpop (erf)  }
0x32: {  	v9 =	vld [tilespmem:s19+$0x10];
	[tilespmem:s17+$0x20] =	vst v10;
	v10 =	vmul.f32 v0, v4;
	v1 =	vpop (erf)  }
.Ltmp0:
0x33: {  	v0 =	vld [tilespmem:s19+$0x20];
	[tilespmem:s17+$0x30] =	vst v11;
	v4 =	vmul.f32 v1, v5;
	v2 =	vpop (erf);
	(pc) =	sbr.rel @p0 .LBB2_3-.Ltmp0, $4  }
0x34: {  	v1 =	vld [tilespmem:s19+$0x30];
	[tilespmem:s17+$0x40] =	vst v10;
	v5 =	vmul.f32 v2, v6;
	v3 =	vpop (erf)  }
0x35: {  	v2 =	vld [tilespmem:s19+$0x40];
	[tilespmem:s17+$0x50] =	vst v4;
	v7 =	vmul.f32 v3, v7  }
0x36: {  	v6 =	vmul.f32 $1.442695020e+00, v8;
	v3 =	vld [tilespmem:s19+$0x50];
	[tilespmem:s17+$0x60] =	vst v5  }
0x37: {  	s18 =	sadd.s32 $0x200, s18;
	v5 =	vmul.f32 $1.442695020e+00, v9;
	v4 =	vld [tilespmem:s19+$0x60];
	[tilespmem:s17+$0x70] =	vst v7;
	s17 =	smov.u32 s19  }
0x38: {  	(erf) = vpow2.f32 v6;
	v0 =	vmul.f32 $1.442695020e+00, v0;
	v40 =	vld [tilespmem:s17+$0x70]  }
0x39: {  	v1 =	vmul.f32 $1.442695020e+00, v1;
	(erf) = vpow2.f32 v5  }
0x3a: {  	v2 =	vmul.f32 $1.442695020e+00, v2;
	(erf) = vpow2.f32 v0  }
0x3b: {  	v41 =	vmul.f32 $1.442695020e+00, v3;
	(erf) = vpow2.f32 v1  }
0x3c: {  	v42 =	vmul.f32 $1.442695020e+00, v4;
	(erf) = vpow2.f32 v2  }
0x3d: {  	v43 =	vld [tilespmem:s17+$0x2880];
	v44 =	vmul.f32 $1.442695020e+00, v40;
	(erf) = vpow2.f32 v41  }
0x3e: {  	v45 =	vld [tilespmem:s17+$0x2890];
	(erf) = vpow2.f32 v42  }
0x3f: {  	v46 =	vld [tilespmem:s17+$0x28A0];
	(erf) = vpow2.f32 v44  }
0x40: {  	v47 =	vld [tilespmem:s17+$0x28B0]  }
0x41: {  	v48 =	vld [tilespmem:s17+$0x28C0];
	v49 =	vpop (erf)  }
0x42: {  	v50 =	vld [tilespmem:s17+$0x28D0];
	v2 =	vmul.f32 v49, v43;
	v51 =	vpop (erf)  }
0x43: {  	v7 =	vld [tilespmem:s17+$0x28E0];
	v0 =	vmul.f32 v51, v45;
	v52 =	vpop (erf)  }
0x44: {  	v53 =	vld [tilespmem:s17+$0x28F0];
	[tilespmem:s17+$0x0] =	vst v2;
	v1 =	vmul.f32 v52, v46;
	v54 =	vpop (erf)  }
0x45: {  	[tilespmem:s17+$0x10] =	vst v0;
	v55 =	vmul.f32 v54, v47;
	v56 =	vpop (erf)  }
0x46: {  	[tilespmem:s17+$0x20] =	vst v1;
	v57 =	vmul.f32 v56, v48;
	v58 =	vpop (erf)  }
0x47: {  	[tilespmem:s17+$0x30] =	vst v55;
	v59 =	vmul.f32 v58, v50;
	v60 =	vpop (erf)  }
0x48: {  	[tilespmem:s17+$0x40] =	vst v57;
	v61 =	vmul.f32 v60, v7;
	v62 =	vpop (erf)  }
0x49: {  	s15 =	sadd.s32 $0x1, s15;
	[tilespmem:s17+$0x50] =	vst v59;
	v63 =	vmul.f32 v62, v53  }
0x4a: {  	p0 =	sne.s32 s15, $0x7D;
	[tilespmem:s17+$0x60] =	vst v61  }
.Ltmp1:
0x4b: {  	s16 =	sadd.s32 s2, s16;
	[tilespmem:s17+$0x70] =	vst v63;
	(pc) =	sbr.rel @p0 .LBB2_2-.Ltmp1, $4  }
0x4c: {  	[hbm4b:s16+s3] =	stream.linear.scatter [tilespmem:s3], [sflag:$0x2], $0x2800, $0x38;
	[tilespmem:$0x5080] =	vst v63  }
0x4d: {  	_ =	swait.ge [sflag:s9], $0x2800  }
0x4e: {  	[sflag:s9] =	ssyncset.done $0x0  }
0x4f: {  	[sflag:s9] =	ssyncadd.s32 $0xFFFFD800  }
0x50: {  	s14 =	sadd.s32 $0x1, s14  }
0x51: {  	p0 =	sne.s32 s14, s8  }
.Ltmp2:
0x52: {  	_ = 	snop;
	(pc) =	sbr.rel @p0 .LBB2_1-.Ltmp2, $1  }
0x53: {  	_ =	sdelay $0x3  }
0x54: {  	_ =	sfence.sel $0x180000  }
0x55: {  	[bflag:$0x0] =	sbarrier.arrive $0xFFFF  }
0x56: {  	p0 =	sne.s32 s4, $0x0;
	_ =	strace $0x9000004A  }
0x57: {  	s0 =	sadd.s32 @!p0 $0x100000, s0;
	[bflag:$0x2] =	sbarrier.arrive $0xFFFF  }
0x58: {  	[sflag:s0] =	ssyncadd.tile.s32 @!p0 $0x1;
	_ =	shalt  }
.Lfunc_end2:
_tile_overlayer_lowered:
.L_overlay_start_2:
0x59: {  	(tag) =	ssettag $0x2  }
0x5a: {  	s0 =	rddreg [dreg:$0x0];
	s2 =	stileid.u32  }
0x5b: {  	s1 =	rddreg [dreg:$0x1];
	p0 =	sne.s32 s2, $0x0  }
0x5c: {  	s3 =	rddreg [dreg:$0x2];
	[bflag:$0x3] =	sbarrier.arrive $0xFFFF;
	s2 =	simm.s32 @!p0 $0x1C02  }
0x5d: {  	[timem:s3], [sflag:s2] =	dma.local @!p0 [hbm:s0], s1  }
0x5e: {  	s0 =	simm.s32 @!p0 $0x2  }
0x5f: {  	_ =	swait.ge @!p0 [sflag:s0], s1  }
0x60: {  	s1 =	ssub.s32 @!p0 $0x0, s1;
	[sflag:s0] =	ssyncset.done @!p0 $0x0  }
0x61: {  	[sflag:s0] =	ssyncadd.s32 @!p0 s1  }
0x62: {  	[bflag:$0x3] =	sbarrier.arrive $0xFFFF  }
0x63: {  	_ =	shalt  }

</sc_bundles>
